<compile_context>
chip_gen: v7x
topology: tpu7x:2x2x1
jax: 0.10.2.dev20260603
libtpu: 0.0.44.dev20260713+nightly
codegen_flags: <defaults>
</compile_context>

<pallas_src>
import functools

import jax
import jax.numpy as jnp
from jax import lax
from jax.experimental import pallas as pl
from jax.experimental.pallas import tpu as pltpu, tpu_sc as plsc

NC = 2
NS = 16
NW = NC * NS
CH = 128
DW = 16


def _sc_mesh():
  return plsc.VectorSubcoreMesh(
      core_axis_name="c", subcore_axis_name="s", num_cores=NC,
      num_subcores=NS)


def _make_deg_kernel(EP, NPD, cpw):
  rpt = NPD // NS
  assert rpt % CH == 0

  @functools.partial(
      pl.kernel,
      mesh=_sc_mesh(),
      out_type=jax.ShapeDtypeStruct((NC * NPD,), jnp.float32),
      scratch_types=[
          pltpu.VMEM((CH,), jnp.int32),
          pltpu.VMEM((CH,), jnp.float32),
          pltpu.VMEM((CH,), jnp.float32),
          pltpu.VMEM_SHARED((NPD,), jnp.float32),
      ],
  )
  def deg_kernel(dst_hbm, degp_hbm, idx_v, ones_v, zero_v, acc_sh):
    c = lax.axis_index("c")
    s = lax.axis_index("s")
    wid = s * NC + c
    r0 = pl.multiple_of(s * rpt, 8)
    for i in range(CH // 16):
      ones_v[pl.ds(16 * i, 16)] = jnp.full((16,), 1.0, jnp.float32)
      zero_v[pl.ds(16 * i, 16)] = jnp.zeros((16,), jnp.float32)

    def zbody(k, carry):
      pltpu.sync_copy(zero_v, acc_sh.at[pl.ds(r0 + k * CH, CH)])
      return carry

    lax.fori_loop(0, rpt // CH, zbody, 0)
    plsc.subcore_barrier()
    base = wid * (cpw * CH)

    def body(j, carry):
      st = pl.multiple_of(base + j * CH, CH)
      pltpu.sync_copy(dst_hbm.at[pl.ds(st, CH)], idx_v)
      pltpu.sync_copy(ones_v, acc_sh.at[idx_v], add=True)
      return carry

    lax.fori_loop(0, cpw, body, 0)
    plsc.subcore_barrier()
    o0 = pl.multiple_of(c * NPD + s * rpt, 8)
    pltpu.sync_copy(acc_sh.at[pl.ds(r0, rpt)], degp_hbm.at[pl.ds(o0, rpt)])

  return deg_kernel


def _make_scatter_kernel(EP, NP, N, D, cpw):
  rpt = NP // NS
  assert cpw % 2 == 0

  @functools.partial(
      pl.kernel,
      mesh=_sc_mesh(),
      out_type=jax.ShapeDtypeStruct((NC * NP, D), jnp.float32),
      scratch_types=[
          pltpu.VMEM((CH,), jnp.int32),
          pltpu.VMEM((CH,), jnp.int32),
          pltpu.VMEM((CH, D), jnp.float32),
          pltpu.VMEM_SHARED((NP, D), jnp.float32),
          pltpu.SemaphoreType.DMA,
      ],
  )
  def scat_kernel(src_hbm, dst_hbm, g_hbm, zeros_hbm, part_hbm,
                  sidx_v, didx_v, rows_v, acc_sh, sem):
    c = lax.axis_index("c")
    s = lax.axis_index("s")
    wid = s * NC + c
    r0 = pl.multiple_of(s * rpt, 8)
    pltpu.sync_copy(zeros_hbm.at[pl.ds(r0, rpt)], acc_sh.at[pl.ds(r0, rpt)])
    plsc.subcore_barrier()
    base = wid * (cpw * CH)

    def body(j, carry):
      st = pl.multiple_of(base + j * CH, CH)
      pltpu.sync_copy(src_hbm.at[pl.ds(st, CH)], sidx_v)
      pltpu.sync_copy(dst_hbm.at[pl.ds(st, CH)], didx_v)
      pltpu.async_copy(g_hbm.at[sidx_v], rows_v, sem).wait()
      pltpu.sync_copy(rows_v, acc_sh.at[didx_v], add=True)
      return carry

    lax.fori_loop(0, cpw, body, 0)
    plsc.subcore_barrier()
    o0 = pl.multiple_of(c * NP + s * rpt, 8)
    pltpu.sync_copy(acc_sh.at[pl.ds(r0, rpt)], part_hbm.at[pl.ds(o0, rpt)])

  return scat_kernel


def _mm_body(x_ref, w_ref, o_ref):
  o_ref[:] = jnp.dot(x_ref[:], w_ref[:], preferred_element_type=jnp.float32)


def _dis_body(dega_ref, degb_ref, p1_ref, dis_ref, g1_ref):
  d = dega_ref[:] + degb_ref[:] + 1.0
  dv = lax.rsqrt(d)
  dis_ref[:] = dv
  g1_ref[:] = p1_ref[:] * dv


def _mid_body(pa_ref, pb_ref, g1_ref, dis_ref, b1_ref, w2_ref, g2_ref):
  dv = dis_ref[:]
  h = (pa_ref[:] + pb_ref[:] + g1_ref[:]) * dv + b1_ref[:]
  h = jnp.maximum(h, 0.0)
  g2_ref[:] = jnp.dot(h, w2_ref[:], preferred_element_type=jnp.float32) * dv


def _fin_body(pa_ref, pb_ref, g2_ref, dis_ref, b2_ref, o_ref):
  o_ref[:] = (pa_ref[:] + pb_ref[:] + g2_ref[:]) * dis_ref[:] + b2_ref[:]


def kernel(x, edge_index, W1, b1, W2, b2):
  N, D = x.shape
  E = edge_index.shape[1]

  ei = edge_index.astype(jnp.int32)
  src, dst = ei[0], ei[1]

  NP = ((N + NS - 1) // NS) * NS
  if (NP // NS) % 8 != 0:
    NP = ((N + 8 * NS - 1) // (8 * NS)) * (8 * NS)
  cpw = (E + NW * CH - 1) // (NW * CH)
  cpw += cpw % 2
  EP = cpw * NW * CH
  pad = EP + CH - E
  src = jnp.concatenate([src, jnp.zeros((pad,), jnp.int32)])
  dst = jnp.concatenate([dst, jnp.full((pad,), N, jnp.int32)])

  zeros_d = jnp.zeros((NP, D), jnp.float32)
  NPD = ((N + NS * CH - 1) // (NS * CH)) * (NS * CH)

  deg_k = _make_deg_kernel(EP, NPD, cpw)
  scat_k = _make_scatter_kernel(EP, NP, N, D, cpw)

  BR = 1000 if N % 1000 == 0 else 8
  grid = (pl.cdiv(N, BR),)
  row_spec = pl.BlockSpec((BR, D), lambda i: (i, 0))
  col_spec = pl.BlockSpec((BR, 1), lambda i: (i, 0))
  full_spec = pl.BlockSpec((D, D), lambda i: (0, 0))
  bias_spec = pl.BlockSpec((1, D), lambda i: (0, 0))

  p1 = pl.pallas_call(
      _mm_body,
      grid=grid,
      in_specs=[row_spec, full_spec],
      out_specs=row_spec,
      out_shape=jax.ShapeDtypeStruct((N, D), jnp.float32),
  )(x, W1)

  degp = deg_k(dst)
  dega = degp[:N].reshape(N, 1)
  degb = degp[NPD:NPD + N].reshape(N, 1)

  dis, g1 = pl.pallas_call(
      _dis_body,
      grid=grid,
      in_specs=[col_spec, col_spec, row_spec],
      out_specs=[col_spec, row_spec],
      out_shape=[
          jax.ShapeDtypeStruct((N, 1), jnp.float32),
          jax.ShapeDtypeStruct((N, D), jnp.float32),
      ],
  )(dega, degb, p1)

  part1 = scat_k(src, dst, g1, zeros_d)

  g2 = pl.pallas_call(
      _mid_body,
      grid=grid,
      in_specs=[row_spec, row_spec, row_spec, col_spec, bias_spec, full_spec],
      out_specs=row_spec,
      out_shape=jax.ShapeDtypeStruct((N, D), jnp.float32),
  )(part1[:N], part1[NP:NP + N], g1, dis, b1.reshape(1, D), W2)

  part2 = scat_k(src, dst, g2, zeros_d)

  out = pl.pallas_call(
      _fin_body,
      grid=grid,
      in_specs=[row_spec, row_spec, row_spec, col_spec, bias_spec],
      out_specs=row_spec,
      out_shape=jax.ShapeDtypeStruct((N, D), jnp.float32),
  )(part2[:N], part2[NP:NP + N], g2, dis, b2.reshape(1, D))

  return out

# --- scband reference (transcript-rebuilt; emitter-appended) ---
"""Pipeline reference for scband-gnnmodel-21285857919231 (READ-ONLY COPY).

The authoritative reference and input builder live on the scoring server;
editing this copy changes nothing except your own understanding.
"""

import jax, jax.numpy as jnp
import numpy as np

N_NODES = 10000


def gcn_conv(x, edge_index, W, b):
    n = x.shape[0]
    src = edge_index[0]
    dst = edge_index[1]
    # add self-loops (PyG GCNConv default)
    loop = jnp.arange(n, dtype=edge_index.dtype)
    src = jnp.concatenate([src, loop])
    dst = jnp.concatenate([dst, loop])
    # symmetric normalization D^{-1/2} (A+I) D^{-1/2}
    deg = jnp.zeros((n,), dtype=x.dtype).at[dst].add(1.0)
    deg_inv_sqrt = jnp.where(deg > 0, 1.0 / jnp.sqrt(deg), 0.0)
    norm = deg_inv_sqrt[src] * deg_inv_sqrt[dst]
    h = x @ W
    msg = h[src] * norm[:, None]
    out = jnp.zeros((n, W.shape[1]), dtype=x.dtype).at[dst].add(msg)
    return out + b


def setup_inputs(seed: int = 0) -> dict:
    key = jax.random.key(seed)
    k1, k2, k3, k4, k5, k6 = jax.random.split(key, 6)
    x = jax.random.normal(k1, (N_NODES, 128), dtype=jnp.float32)
    edge_index = jax.random.randint(k2, (2, 320000), 0, N_NODES, dtype=jnp.int64)
    s1 = 1.0 / np.sqrt(128.0)
    W1 = jax.random.uniform(k3, (128, 128), minval=-s1, maxval=s1, dtype=jnp.float32)
    b1 = jax.random.uniform(k4, (128,), minval=-s1, maxval=s1, dtype=jnp.float32)
    W2 = jax.random.uniform(k5, (128, 128), minval=-s1, maxval=s1, dtype=jnp.float32)
    b2 = jax.random.uniform(k6, (128,), minval=-s1, maxval=s1, dtype=jnp.float32)
    return {"x": x, "edge_index": edge_index, "W1": W1, "b1": b1, "W2": W2, "b2": b2}


def reference(x, edge_index, W1, b1, W2, b2):
    h = gcn_conv(x, edge_index, W1, b1)
    h = jax.nn.relu(h)
    out = gcn_conv(h, edge_index, W2, b2)
    return out

if __name__ == "__main__":
    import jax
    _d = setup_inputs()
    print(jax.jit(kernel)(*tuple(_d.values())))

</pallas_src>

<mosaic_0001>
#map = affine_map<(d0, d1) -> (0)>
#map1 = affine_map<(d0, d1) -> (0, 0)>
module attributes {stable_mosaic.version = 14 : i64} {
  func.func @scat_kernel(%arg0: i32, %arg1: i32, %arg2: memref<327808xi32, #tpu.memory_space<hbm>>, %arg3: memref<327808xi32, #tpu.memory_space<hbm>>, %arg4: memref<10000x128xf32, #tpu.memory_space<hbm>>, %arg5: memref<10112x128xf32, #tpu.memory_space<hbm>>, %arg6: memref<20224x128xf32, #tpu.memory_space<hbm>>, %arg7: memref<128xi32, #tpu.memory_space<vmem>>, %arg8: memref<128xi32, #tpu.memory_space<vmem>>, %arg9: memref<128x128xf32, #tpu.memory_space<vmem>>, %arg10: memref<10112x128xf32, #tpu.memory_space<vmem_shared>>, %arg11: memref<!tpu.dma_semaphore, #tpu.memory_space<semaphore_mem>>) attributes {dimension_semantics = [#tpu.dimension_semantics<core_parallel>, #tpu.dimension_semantics<subcore_parallel>], iteration_bounds = array<i64: 2, 16>, scalar_prefetch = 0 : i64, scratch_operands = 5 : i64, tpu.core_type = #tpu.core_type<sc_vector_subcore>, window_params = [{transform_indices = #map}, {transform_indices = #map}, {transform_indices = #map1}, {transform_indices = #map1}, {transform_indices = #map1}]} {
    %mul3A = arith.constant 2 : i32
    %mul3A_0 = arith.muli %arg1, %mul3A : i32
    %add3A = arith.addi %mul3A_0, %arg0 : i32
    %mul3A_1 = arith.constant 632 : i32
    %mul3A_2 = arith.muli %arg1, %mul3A_1 : i32
    %multiple_of3A = tpu.assume_multiple %mul3A_2, 8 : i32
    "tpu.region"() ({
      %run_scoped3A = tpu.sem_alloc : memref<!tpu.dma_semaphore, #tpu.memory_space<semaphore_mem>>
      %dma_start3A = arith.constant 0 : i32
      %dma_start3A_17 = tpu.memref_slice %arg10[%multiple_of3A, %dma_start3A] : memref<10112x128xf32, #tpu.memory_space<vmem_shared>> -> memref<632x128xf32, #tpu.memory_space<vmem_shared>>
      %dma_start3A_18 = arith.constant 0 : i32
      %dma_start3A_19 = tpu.memref_slice %arg5[%multiple_of3A, %dma_start3A_18] : memref<10112x128xf32, #tpu.memory_space<hbm>> -> memref<632x128xf32, #tpu.memory_space<hbm>>
      tpu.enqueue_dma source(%dma_start3A_19 : memref<632x128xf32, #tpu.memory_space<hbm>>) target(%dma_start3A_17 : memref<632x128xf32, #tpu.memory_space<vmem_shared>>) target_semaphore(%run_scoped3A : memref<!tpu.dma_semaphore, #tpu.memory_space<semaphore_mem>>)
      %dma_wait3A = arith.constant 0 : i32
      %dma_wait3A_20 = tpu.memref_slice %arg10[%multiple_of3A, %dma_wait3A] : memref<10112x128xf32, #tpu.memory_space<vmem_shared>> -> memref<632x128xf32, #tpu.memory_space<vmem_shared>>
      %dma_wait3A_21 = arith.constant 0 : i32
      %dma_wait3A_22 = tpu.memref_slice %arg5[%multiple_of3A, %dma_wait3A_21] : memref<10112x128xf32, #tpu.memory_space<hbm>> -> memref<632x128xf32, #tpu.memory_space<hbm>>
      tpu.wait_dma2 semaphore(%run_scoped3A : memref<!tpu.dma_semaphore, #tpu.memory_space<semaphore_mem>>) src(%dma_wait3A_22 : memref<632x128xf32, #tpu.memory_space<hbm>>) dst(%dma_wait3A_20 : memref<632x128xf32, #tpu.memory_space<vmem_shared>>)
      tpu.yield
    }) : () -> ()
    %barrier3A = arith.constant 0 : index
    tpu.barrier barrier_id(%barrier3A)
    %mul3A_3 = arith.constant 10240 : i32
    %mul3A_4 = arith.muli %add3A, %mul3A_3 : i32
    %scan3A = arith.constant 0 : i32
    %scan3A_5 = arith.constant 0 : i32
    %scan3A_6 = arith.constant 80 : i32
    %scan3A_7 = arith.addi %scan3A_5, %scan3A_6 : i32
    %scan3A_8 = arith.constant 1 : i32
    scf.for %scan3A_17 = %scan3A_5 to %scan3A_7 step %scan3A_8  : i32 {
      %mul3A_18 = arith.constant 128 : i32
      %mul3A_19 = arith.muli %scan3A_17, %mul3A_18 : i32
      %add3A_20 = arith.addi %mul3A_4, %mul3A_19 : i32
      %multiple_of3A_21 = tpu.assume_multiple %add3A_20, 128 : i32
      "tpu.region"() ({
        %run_scoped3A = tpu.sem_alloc : memref<!tpu.dma_semaphore, #tpu.memory_space<semaphore_mem>>
        %dma_start3A_26 = tpu.memref_slice %arg2[%multiple_of3A_21] : memref<327808xi32, #tpu.memory_space<hbm>> -> memref<128xi32, #tpu.memory_space<hbm>>
        %dma_start3A_27 = tpu.memref_slice %arg2[%multiple_of3A_21] : memref<327808xi32, #tpu.memory_space<hbm>> -> memref<128xi32, #tpu.memory_space<hbm>>
        tpu.enqueue_dma source(%dma_start3A_27 : memref<128xi32, #tpu.memory_space<hbm>>) target(%arg7 : memref<128xi32, #tpu.memory_space<vmem>>) target_semaphore(%run_scoped3A : memref<!tpu.dma_semaphore, #tpu.memory_space<semaphore_mem>>)
        %dma_wait3A_28 = tpu.memref_slice %arg2[%multiple_of3A_21] : memref<327808xi32, #tpu.memory_space<hbm>> -> memref<128xi32, #tpu.memory_space<hbm>>
        %dma_wait3A_29 = tpu.memref_slice %arg2[%multiple_of3A_21] : memref<327808xi32, #tpu.memory_space<hbm>> -> memref<128xi32, #tpu.memory_space<hbm>>
        tpu.wait_dma2 semaphore(%run_scoped3A : memref<!tpu.dma_semaphore, #tpu.memory_space<semaphore_mem>>) src(%dma_wait3A_29 : memref<128xi32, #tpu.memory_space<hbm>>) dst(%arg7 : memref<128xi32, #tpu.memory_space<vmem>>)
        tpu.yield
      }) : () -> ()
      "tpu.region"() ({
        %run_scoped3A = tpu.sem_alloc : memref<!tpu.dma_semaphore, #tpu.memory_space<semaphore_mem>>
        %dma_start3A_26 = tpu.memref_slice %arg3[%multiple_of3A_21] : memref<327808xi32, #tpu.memory_space<hbm>> -> memref<128xi32, #tpu.memory_space<hbm>>
        %dma_start3A_27 = tpu.memref_slice %arg3[%multiple_of3A_21] : memref<327808xi32, #tpu.memory_space<hbm>> -> memref<128xi32, #tpu.memory_space<hbm>>
        tpu.enqueue_dma source(%dma_start3A_27 : memref<128xi32, #tpu.memory_space<hbm>>) target(%arg8 : memref<128xi32, #tpu.memory_space<vmem>>) target_semaphore(%run_scoped3A : memref<!tpu.dma_semaphore, #tpu.memory_space<semaphore_mem>>)
        %dma_wait3A_28 = tpu.memref_slice %arg3[%multiple_of3A_21] : memref<327808xi32, #tpu.memory_space<hbm>> -> memref<128xi32, #tpu.memory_space<hbm>>
        %dma_wait3A_29 = tpu.memref_slice %arg3[%multiple_of3A_21] : memref<327808xi32, #tpu.memory_space<hbm>> -> memref<128xi32, #tpu.memory_space<hbm>>
        tpu.wait_dma2 semaphore(%run_scoped3A : memref<!tpu.dma_semaphore, #tpu.memory_space<semaphore_mem>>) src(%dma_wait3A_29 : memref<128xi32, #tpu.memory_space<hbm>>) dst(%arg8 : memref<128xi32, #tpu.memory_space<vmem>>)
        tpu.yield
      }) : () -> ()
      %dma_start3A = arith.constant 0 : i32
      %dma_start3A_22 = arith.constant 0 : i32
      %dma_start3A_23 = tpu.memref_slice %arg4[%dma_start3A, %dma_start3A_22] : memref<10000x128xf32, #tpu.memory_space<hbm>> -> memref<10000x128xf32, #tpu.memory_space<hbm>>
      tpu.enqueue_indirect_dma source(%dma_start3A_23 : memref<10000x128xf32, #tpu.memory_space<hbm>>) target(%arg9 : memref<128x128xf32, #tpu.memory_space<vmem>>) offsets(%arg7 : memref<128xi32, #tpu.memory_space<vmem>>) semaphore(%arg11 : memref<!tpu.dma_semaphore, #tpu.memory_space<semaphore_mem>>)
      %dma_wait3A = arith.constant 0 : i32
      %dma_wait3A_24 = arith.constant 0 : i32
      %dma_wait3A_25 = tpu.memref_slice %arg4[%dma_wait3A, %dma_wait3A_24] : memref<10000x128xf32, #tpu.memory_space<hbm>> -> memref<10000x128xf32, #tpu.memory_space<hbm>>
      tpu.wait_indirect_dma semaphore(%arg11 : memref<!tpu.dma_semaphore, #tpu.memory_space<semaphore_mem>>) src(%dma_wait3A_25 : memref<10000x128xf32, #tpu.memory_space<hbm>>) dst(%arg9 : memref<128x128xf32, #tpu.memory_space<vmem>>)
      "tpu.region"() ({
        %run_scoped3A = tpu.sem_alloc : memref<!tpu.dma_semaphore, #tpu.memory_space<semaphore_mem>>
        %dma_start3A_26 = arith.constant 0 : i32
        %dma_start3A_27 = arith.constant 0 : i32
        %dma_start3A_28 = tpu.memref_slice %arg10[%dma_start3A_26, %dma_start3A_27] : memref<10112x128xf32, #tpu.memory_space<vmem_shared>> -> memref<10112x128xf32, #tpu.memory_space<vmem_shared>>
        tpu.enqueue_indirect_dma source(%arg9 : memref<128x128xf32, #tpu.memory_space<vmem>>) target(%dma_start3A_28 : memref<10112x128xf32, #tpu.memory_space<vmem_shared>>) offsets(%arg8 : memref<128xi32, #tpu.memory_space<vmem>>) semaphore(%run_scoped3A : memref<!tpu.dma_semaphore, #tpu.memory_space<semaphore_mem>>) {add = true}
        %dma_wait3A_29 = arith.constant 0 : i32
        %dma_wait3A_30 = arith.constant 0 : i32
        %dma_wait3A_31 = tpu.memref_slice %arg10[%dma_wait3A_29, %dma_wait3A_30] : memref<10112x128xf32, #tpu.memory_space<vmem_shared>> -> memref<10112x128xf32, #tpu.memory_space<vmem_shared>>
        tpu.wait_indirect_dma semaphore(%run_scoped3A : memref<!tpu.dma_semaphore, #tpu.memory_space<semaphore_mem>>) src(%arg9 : memref<128x128xf32, #tpu.memory_space<vmem>>) dst(%dma_wait3A_31 : memref<10112x128xf32, #tpu.memory_space<vmem_shared>>)
        tpu.yield
      }) : () -> ()
    }
    %scan3A_9 = arith.constant 80 : i32
    %barrier3A_10 = arith.constant 0 : index
    tpu.barrier barrier_id(%barrier3A_10)
    %mul3A_11 = arith.constant 10112 : i32
    %mul3A_12 = arith.muli %arg0, %mul3A_11 : i32
    %mul3A_13 = arith.constant 632 : i32
    %mul3A_14 = arith.muli %arg1, %mul3A_13 : i32
    %add3A_15 = arith.addi %mul3A_12, %mul3A_14 : i32
    %multiple_of3A_16 = tpu.assume_multiple %add3A_15, 8 : i32
    "tpu.region"() ({
      %run_scoped3A = tpu.sem_alloc : memref<!tpu.dma_semaphore, #tpu.memory_space<semaphore_mem>>
      %dma_start3A = arith.constant 0 : i32
      %dma_start3A_17 = tpu.memref_slice %arg6[%multiple_of3A_16, %dma_start3A] : memref<20224x128xf32, #tpu.memory_space<hbm>> -> memref<632x128xf32, #tpu.memory_space<hbm>>
      %dma_start3A_18 = arith.constant 0 : i32
      %dma_start3A_19 = tpu.memref_slice %arg10[%multiple_of3A, %dma_start3A_18] : memref<10112x128xf32, #tpu.memory_space<vmem_shared>> -> memref<632x128xf32, #tpu.memory_space<vmem_shared>>
      tpu.enqueue_dma source(%dma_start3A_19 : memref<632x128xf32, #tpu.memory_space<vmem_shared>>) target(%dma_start3A_17 : memref<632x128xf32, #tpu.memory_space<hbm>>) target_semaphore(%run_scoped3A : memref<!tpu.dma_semaphore, #tpu.memory_space<semaphore_mem>>)
      %dma_wait3A = arith.constant 0 : i32
      %dma_wait3A_20 = tpu.memref_slice %arg6[%multiple_of3A_16, %dma_wait3A] : memref<20224x128xf32, #tpu.memory_space<hbm>> -> memref<632x128xf32, #tpu.memory_space<hbm>>
      %dma_wait3A_21 = arith.constant 0 : i32
      %dma_wait3A_22 = tpu.memref_slice %arg10[%multiple_of3A, %dma_wait3A_21] : memref<10112x128xf32, #tpu.memory_space<vmem_shared>> -> memref<632x128xf32, #tpu.memory_space<vmem_shared>>
      tpu.wait_dma2 semaphore(%run_scoped3A : memref<!tpu.dma_semaphore, #tpu.memory_space<semaphore_mem>>) src(%dma_wait3A_22 : memref<632x128xf32, #tpu.memory_space<vmem_shared>>) dst(%dma_wait3A_20 : memref<632x128xf32, #tpu.memory_space<hbm>>)
      tpu.yield
    }) : () -> ()
    return
  }
}

#map = affine_map<(d0, d1) -> (0)>
module attributes {stable_mosaic.version = 14 : i64} {
  func.func @deg_kernel(%arg0: i32, %arg1: i32, %arg2: memref<327808xi32, #tpu.memory_space<hbm>>, %arg3: memref<20480xf32, #tpu.memory_space<hbm>>, %arg4: memref<128xi32, #tpu.memory_space<vmem>>, %arg5: memref<128xf32, #tpu.memory_space<vmem>>, %arg6: memref<128xf32, #tpu.memory_space<vmem>>, %arg7: memref<10240xf32, #tpu.memory_space<vmem_shared>>) attributes {dimension_semantics = [#tpu.dimension_semantics<core_parallel>, #tpu.dimension_semantics<subcore_parallel>], iteration_bounds = array<i64: 2, 16>, scalar_prefetch = 0 : i64, scratch_operands = 4 : i64, tpu.core_type = #tpu.core_type<sc_vector_subcore>, window_params = [{transform_indices = #map}, {transform_indices = #map}]} {
    %mul3A = arith.constant 2 : i32
    %mul3A_0 = arith.muli %arg1, %mul3A : i32
    %add3A = arith.addi %mul3A_0, %arg0 : i32
    %mul3A_1 = arith.constant 640 : i32
    %mul3A_2 = arith.muli %arg1, %mul3A_1 : i32
    %multiple_of3A = tpu.assume_multiple %mul3A_2, 8 : i32
    %broadcast_in_dim3A = arith.constant 1.000000e+00 : f32
    %broadcast_in_dim3A_3 = vector.broadcast %broadcast_in_dim3A : f32 to vector<16xf32>
    %swap3A = arith.constant 0 : index
    %swap3A_4 = tpu.vector_load %arg5[%swap3A] {strides = array<i32>} : memref<128xf32, #tpu.memory_space<vmem>>, vector<16xf32>,
    %swap3A_5 = vector.shape_cast %swap3A_4 : vector<16xf32> to vector<16xf32>
    %swap3A_6 = vector.shape_cast %broadcast_in_dim3A_3 : vector<16xf32> to vector<16xf32>
    tpu.vector_store %arg5[%swap3A], %swap3A_6 {strides = array<i32>} : memref<128xf32, #tpu.memory_space<vmem>>, vector<16xf32>,
    %broadcast_in_dim3A_7 = arith.constant 0.000000e+00 : f32
    %broadcast_in_dim3A_8 = vector.broadcast %broadcast_in_dim3A_7 : f32 to vector<16xf32>
    %swap3A_9 = arith.constant 0 : index
    %swap3A_10 = tpu.vector_load %arg6[%swap3A_9] {strides = array<i32>} : memref<128xf32, #tpu.memory_space<vmem>>, vector<16xf32>,
    %swap3A_11 = vector.shape_cast %swap3A_10 : vector<16xf32> to vector<16xf32>
    %swap3A_12 = vector.shape_cast %broadcast_in_dim3A_8 : vector<16xf32> to vector<16xf32>
    tpu.vector_store %arg6[%swap3A_9], %swap3A_12 {strides = array<i32>} : memref<128xf32, #tpu.memory_space<vmem>>, vector<16xf32>,
    %broadcast_in_dim3A_13 = arith.constant 1.000000e+00 : f32
    %broadcast_in_dim3A_14 = vector.broadcast %broadcast_in_dim3A_13 : f32 to vector<16xf32>
    %swap3A_15 = arith.constant 16 : index
    %swap3A_16 = tpu.vector_load %arg5[%swap3A_15] {strides = array<i32>} : memref<128xf32, #tpu.memory_space<vmem>>, vector<16xf32>,
    %swap3A_17 = vector.shape_cast %swap3A_16 : vector<16xf32> to vector<16xf32>
    %swap3A_18 = vector.shape_cast %broadcast_in_dim3A_14 : vector<16xf32> to vector<16xf32>
    tpu.vector_store %arg5[%swap3A_15], %swap3A_18 {strides = array<i32>} : memref<128xf32, #tpu.memory_space<vmem>>, vector<16xf32>,
    %broadcast_in_dim3A_19 = arith.constant 0.000000e+00 : f32
    %broadcast_in_dim3A_20 = vector.broadcast %broadcast_in_dim3A_19 : f32 to vector<16xf32>
    %swap3A_21 = arith.constant 16 : index
    %swap3A_22 = tpu.vector_load %arg6[%swap3A_21] {strides = array<i32>} : memref<128xf32, #tpu.memory_space<vmem>>, vector<16xf32>,
    %swap3A_23 = vector.shape_cast %swap3A_22 : vector<16xf32> to vector<16xf32>
    %swap3A_24 = vector.shape_cast %broadcast_in_dim3A_20 : vector<16xf32> to vector<16xf32>
    tpu.vector_store %arg6[%swap3A_21], %swap3A_24 {strides = array<i32>} : memref<128xf32, #tpu.memory_space<vmem>>, vector<16xf32>,
    %broadcast_in_dim3A_25 = arith.constant 1.000000e+00 : f32
    %broadcast_in_dim3A_26 = vector.broadcast %broadcast_in_dim3A_25 : f32 to vector<16xf32>
    %swap3A_27 = arith.constant 32 : index
    %swap3A_28 = tpu.vector_load %arg5[%swap3A_27] {strides = array<i32>} : memref<128xf32, #tpu.memory_space<vmem>>, vector<16xf32>,
    %swap3A_29 = vector.shape_cast %swap3A_28 : vector<16xf32> to vector<16xf32>
    %swap3A_30 = vector.shape_cast %broadcast_in_dim3A_26 : vector<16xf32> to vector<16xf32>
    tpu.vector_store %arg5[%swap3A_27], %swap3A_30 {strides = array<i32>} : memref<128xf32, #tpu.memory_space<vmem>>, vector<16xf32>,
    %broadcast_in_dim3A_31 = arith.constant 0.000000e+00 : f32
    %broadcast_in_dim3A_32 = vector.broadcast %broadcast_in_dim3A_31 : f32 to vector<16xf32>
    %swap3A_33 = arith.constant 32 : index
    %swap3A_34 = tpu.vector_load %arg6[%swap3A_33] {strides = array<i32>} : memref<128xf32, #tpu.memory_space<vmem>>, vector<16xf32>,
    %swap3A_35 = vector.shape_cast %swap3A_34 : vector<16xf32> to vector<16xf32>
    %swap3A_36 = vector.shape_cast %broadcast_in_dim3A_32 : vector<16xf32> to vector<16xf32>
    tpu.vector_store %arg6[%swap3A_33], %swap3A_36 {strides = array<i32>} : memref<128xf32, #tpu.memory_space<vmem>>, vector<16xf32>,
    %broadcast_in_dim3A_37 = arith.constant 1.000000e+00 : f32
    %broadcast_in_dim3A_38 = vector.broadcast %broadcast_in_dim3A_37 : f32 to vector<16xf32>
    %swap3A_39 = arith.constant 48 : index
    %swap3A_40 = tpu.vector_load %arg5[%swap3A_39] {strides = array<i32>} : memref<128xf32, #tpu.memory_space<vmem>>, vector<16xf32>,
    %swap3A_41 = vector.shape_cast %swap3A_40 : vector<16xf32> to vector<16xf32>
    %swap3A_42 = vector.shape_cast %broadcast_in_dim3A_38 : vector<16xf32> to vector<16xf32>
    tpu.vector_store %arg5[%swap3A_39], %swap3A_42 {strides = array<i32>} : memref<128xf32, #tpu.memory_space<vmem>>, vector<16xf32>,
    %broadcast_in_dim3A_43 = arith.constant 0.000000e+00 : f32
    %broadcast_in_dim3A_44 = vector.broadcast %broadcast_in_dim3A_43 : f32 to vector<16xf32>
    %swap3A_45 = arith.constant 48 : index
    %swap3A_46 = tpu.vector_load %arg6[%swap3A_45] {strides = array<i32>} : memref<128xf32, #tpu.memory_space<vmem>>, vector<16xf32>,
    %swap3A_47 = vector.shape_cast %swap3A_46 : vector<16xf32> to vector<16xf32>
    %swap3A_48 = vector.shape_cast %broadcast_in_dim3A_44 : vector<16xf32> to vector<16xf32>
    tpu.vector_store %arg6[%swap3A_45], %swap3A_48 {strides = array<i32>} : memref<128xf32, #tpu.memory_space<vmem>>, vector<16xf32>,
    %broadcast_in_dim3A_49 = arith.constant 1.000000e+00 : f32
    %broadcast_in_dim3A_50 = vector.broadcast %broadcast_in_dim3A_49 : f32 to vector<16xf32>
    %swap3A_51 = arith.constant 64 : index
    %swap3A_52 = tpu.vector_load %arg5[%swap3A_51] {strides = array<i32>} : memref<128xf32, #tpu.memory_space<vmem>>, vector<16xf32>,
    %swap3A_53 = vector.shape_cast %swap3A_52 : vector<16xf32> to vector<16xf32>
    %swap3A_54 = vector.shape_cast %broadcast_in_dim3A_50 : vector<16xf32> to vector<16xf32>
    tpu.vector_store %arg5[%swap3A_51], %swap3A_54 {strides = array<i32>} : memref<128xf32, #tpu.memory_space<vmem>>, vector<16xf32>,
    %broadcast_in_dim3A_55 = arith.constant 0.000000e+00 : f32
    %broadcast_in_dim3A_56 = vector.broadcast %broadcast_in_dim3A_55 : f32 to vector<16xf32>
    %swap3A_57 = arith.constant 64 : index
    %swap3A_58 = tpu.vector_load %arg6[%swap3A_57] {strides = array<i32>} : memref<128xf32, #tpu.memory_space<vmem>>, vector<16xf32>,
    %swap3A_59 = vector.shape_cast %swap3A_58 : vector<16xf32> to vector<16xf32>
    %swap3A_60 = vector.shape_cast %broadcast_in_dim3A_56 : vector<16xf32> to vector<16xf32>
    tpu.vector_store %arg6[%swap3A_57], %swap3A_60 {strides = array<i32>} : memref<128xf32, #tpu.memory_space<vmem>>, vector<16xf32>,
    %broadcast_in_dim3A_61 = arith.constant 1.000000e+00 : f32
    %broadcast_in_dim3A_62 = vector.broadcast %broadcast_in_dim3A_61 : f32 to vector<16xf32>
    %swap3A_63 = arith.constant 80 : index
    %swap3A_64 = tpu.vector_load %arg5[%swap3A_63] {strides = array<i32>} : memref<128xf32, #tpu.memory_space<vmem>>, vector<16xf32>,
    %swap3A_65 = vector.shape_cast %swap3A_64 : vector<16xf32> to vector<16xf32>
    %swap3A_66 = vector.shape_cast %broadcast_in_dim3A_62 : vector<16xf32> to vector<16xf32>
    tpu.vector_store %arg5[%swap3A_63], %swap3A_66 {strides = array<i32>} : memref<128xf32, #tpu.memory_space<vmem>>, vector<16xf32>,
    %broadcast_in_dim3A_67 = arith.constant 0.000000e+00 : f32
    %broadcast_in_dim3A_68 = vector.broadcast %broadcast_in_dim3A_67 : f32 to vector<16xf32>
    %swap3A_69 = arith.constant 80 : index
    %swap3A_70 = tpu.vector_load %arg6[%swap3A_69] {strides = array<i32>} : memref<128xf32, #tpu.memory_space<vmem>>, vector<16xf32>,
    %swap3A_71 = vector.shape_cast %swap3A_70 : vector<16xf32> to vector<16xf32>
    %swap3A_72 = vector.shape_cast %broadcast_in_dim3A_68 : vector<16xf32> to vector<16xf32>
    tpu.vector_store %arg6[%swap3A_69], %swap3A_72 {strides = array<i32>} : memref<128xf32, #tpu.memory_space<vmem>>, vector<16xf32>,
    %broadcast_in_dim3A_73 = arith.constant 1.000000e+00 : f32
    %broadcast_in_dim3A_74 = vector.broadcast %broadcast_in_dim3A_73 : f32 to vector<16xf32>
    %swap3A_75 = arith.constant 96 : index
    %swap3A_76 = tpu.vector_load %arg5[%swap3A_75] {strides = array<i32>} : memref<128xf32, #tpu.memory_space<vmem>>, vector<16xf32>,
    %swap3A_77 = vector.shape_cast %swap3A_76 : vector<16xf32> to vector<16xf32>
    %swap3A_78 = vector.shape_cast %broadcast_in_dim3A_74 : vector<16xf32> to vector<16xf32>
    tpu.vector_store %arg5[%swap3A_75], %swap3A_78 {strides = array<i32>} : memref<128xf32, #tpu.memory_space<vmem>>, vector<16xf32>,
    %broadcast_in_dim3A_79 = arith.constant 0.000000e+00 : f32
    %broadcast_in_dim3A_80 = vector.broadcast %broadcast_in_dim3A_79 : f32 to vector<16xf32>
    %swap3A_81 = arith.constant 96 : index
    %swap3A_82 = tpu.vector_load %arg6[%swap3A_81] {strides = array<i32>} : memref<128xf32, #tpu.memory_space<vmem>>, vector<16xf32>,
    %swap3A_83 = vector.shape_cast %swap3A_82 : vector<16xf32> to vector<16xf32>
    %swap3A_84 = vector.shape_cast %broadcast_in_dim3A_80 : vector<16xf32> to vector<16xf32>
    tpu.vector_store %arg6[%swap3A_81], %swap3A_84 {strides = array<i32>} : memref<128xf32, #tpu.memory_space<vmem>>, vector<16xf32>,
    %broadcast_in_dim3A_85 = arith.constant 1.000000e+00 : f32
    %broadcast_in_dim3A_86 = vector.broadcast %broadcast_in_dim3A_85 : f32 to vector<16xf32>
    %swap3A_87 = arith.constant 112 : index
    %swap3A_88 = tpu.vector_load %arg5[%swap3A_87] {strides = array<i32>} : memref<128xf32, #tpu.memory_space<vmem>>, vector<16xf32>,
    %swap3A_89 = vector.shape_cast %swap3A_88 : vector<16xf32> to vector<16xf32>
    %swap3A_90 = vector.shape_cast %broadcast_in_dim3A_86 : vector<16xf32> to vector<16xf32>
    tpu.vector_store %arg5[%swap3A_87], %swap3A_90 {strides = array<i32>} : memref<128xf32, #tpu.memory_space<vmem>>, vector<16xf32>,
    %broadcast_in_dim3A_91 = arith.constant 0.000000e+00 : f32
    %broadcast_in_dim3A_92 = vector.broadcast %broadcast_in_dim3A_91 : f32 to vector<16xf32>
    %swap3A_93 = arith.constant 112 : index
    %swap3A_94 = tpu.vector_load %arg6[%swap3A_93] {strides = array<i32>} : memref<128xf32, #tpu.memory_space<vmem>>, vector<16xf32>,
    %swap3A_95 = vector.shape_cast %swap3A_94 : vector<16xf32> to vector<16xf32>
    %swap3A_96 = vector.shape_cast %broadcast_in_dim3A_92 : vector<16xf32> to vector<16xf32>
    tpu.vector_store %arg6[%swap3A_93], %swap3A_96 {strides = array<i32>} : memref<128xf32, #tpu.memory_space<vmem>>, vector<16xf32>,
    %scan3A = arith.constant 0 : i32
    %scan3A_97 = arith.constant 0 : i32
    %scan3A_98 = arith.constant 5 : i32
    %scan3A_99 = arith.addi %scan3A_97, %scan3A_98 : i32
    %scan3A_100 = arith.constant 1 : i32
    scf.for %scan3A_117 = %scan3A_97 to %scan3A_99 step %scan3A_100  : i32 {
      %mul3A_118 = arith.constant 128 : i32
      %mul3A_119 = arith.muli %scan3A_117, %mul3A_118 : i32
      %add3A_120 = arith.addi %multiple_of3A, %mul3A_119 : i32
      "tpu.region"() ({
        %run_scoped3A = tpu.sem_alloc : memref<!tpu.dma_semaphore, #tpu.memory_space<semaphore_mem>>
        %dma_start3A = tpu.memref_slice %arg7[%add3A_120] : memref<10240xf32, #tpu.memory_space<vmem_shared>> -> memref<128xf32, #tpu.memory_space<vmem_shared>>
        %dma_start3A_121 = tpu.memref_slice %arg7[%add3A_120] : memref<10240xf32, #tpu.memory_space<vmem_shared>> -> memref<128xf32, #tpu.memory_space<vmem_shared>>
        tpu.enqueue_dma source(%arg6 : memref<128xf32, #tpu.memory_space<vmem>>) target(%dma_start3A_121 : memref<128xf32, #tpu.memory_space<vmem_shared>>) target_semaphore(%run_scoped3A : memref<!tpu.dma_semaphore, #tpu.memory_space<semaphore_mem>>)
        %dma_wait3A = tpu.memref_slice %arg7[%add3A_120] : memref<10240xf32, #tpu.memory_space<vmem_shared>> -> memref<128xf32, #tpu.memory_space<vmem_shared>>
        %dma_wait3A_122 = tpu.memref_slice %arg7[%add3A_120] : memref<10240xf32, #tpu.memory_space<vmem_shared>> -> memref<128xf32, #tpu.memory_space<vmem_shared>>
        tpu.wait_dma2 semaphore(%run_scoped3A : memref<!tpu.dma_semaphore, #tpu.memory_space<semaphore_mem>>) src(%arg6 : memref<128xf32, #tpu.memory_space<vmem>>) dst(%dma_wait3A_122 : memref<128xf32, #tpu.memory_space<vmem_shared>>)
        tpu.yield
      }) : () -> ()
    }
    %scan3A_101 = arith.constant 5 : i32
    %barrier3A = arith.constant 0 : index
    tpu.barrier barrier_id(%barrier3A)
    %mul3A_102 = arith.constant 10240 : i32
    %mul3A_103 = arith.muli %add3A, %mul3A_102 : i32
    %scan3A_104 = arith.constant 0 : i32
    %scan3A_105 = arith.constant 0 : i32
    %scan3A_106 = arith.constant 80 : i32
    %scan3A_107 = arith.addi %scan3A_105, %scan3A_106 : i32
    %scan3A_108 = arith.constant 1 : i32
    scf.for %scan3A_117 = %scan3A_105 to %scan3A_107 step %scan3A_108  : i32 {
      %mul3A_118 = arith.constant 128 : i32
      %mul3A_119 = arith.muli %scan3A_117, %mul3A_118 : i32
      %add3A_120 = arith.addi %mul3A_103, %mul3A_119 : i32
      %multiple_of3A_121 = tpu.assume_multiple %add3A_120, 128 : i32
      "tpu.region"() ({
        %run_scoped3A = tpu.sem_alloc : memref<!tpu.dma_semaphore, #tpu.memory_space<semaphore_mem>>
        %dma_start3A = tpu.memref_slice %arg2[%multiple_of3A_121] : memref<327808xi32, #tpu.memory_space<hbm>> -> memref<128xi32, #tpu.memory_space<hbm>>
        %dma_start3A_122 = tpu.memref_slice %arg2[%multiple_of3A_121] : memref<327808xi32, #tpu.memory_space<hbm>> -> memref<128xi32, #tpu.memory_space<hbm>>
        tpu.enqueue_dma source(%dma_start3A_122 : memref<128xi32, #tpu.memory_space<hbm>>) target(%arg4 : memref<128xi32, #tpu.memory_space<vmem>>) target_semaphore(%run_scoped3A : memref<!tpu.dma_semaphore, #tpu.memory_space<semaphore_mem>>)
        %dma_wait3A = tpu.memref_slice %arg2[%multiple_of3A_121] : memref<327808xi32, #tpu.memory_space<hbm>> -> memref<128xi32, #tpu.memory_space<hbm>>
        %dma_wait3A_123 = tpu.memref_slice %arg2[%multiple_of3A_121] : memref<327808xi32, #tpu.memory_space<hbm>> -> memref<128xi32, #tpu.memory_space<hbm>>
        tpu.wait_dma2 semaphore(%run_scoped3A : memref<!tpu.dma_semaphore, #tpu.memory_space<semaphore_mem>>) src(%dma_wait3A_123 : memref<128xi32, #tpu.memory_space<hbm>>) dst(%arg4 : memref<128xi32, #tpu.memory_space<vmem>>)
        tpu.yield
      }) : () -> ()
      "tpu.region"() ({
        %run_scoped3A = tpu.sem_alloc : memref<!tpu.dma_semaphore, #tpu.memory_space<semaphore_mem>>
        %dma_start3A = arith.constant 0 : i32
        %dma_start3A_122 = tpu.memref_slice %arg7[%dma_start3A] : memref<10240xf32, #tpu.memory_space<vmem_shared>> -> memref<10240xf32, #tpu.memory_space<vmem_shared>>
        tpu.enqueue_indirect_dma source(%arg5 : memref<128xf32, #tpu.memory_space<vmem>>) target(%dma_start3A_122 : memref<10240xf32, #tpu.memory_space<vmem_shared>>) offsets(%arg4 : memref<128xi32, #tpu.memory_space<vmem>>) semaphore(%run_scoped3A : memref<!tpu.dma_semaphore, #tpu.memory_space<semaphore_mem>>) {add = true}
        %dma_wait3A = arith.constant 0 : i32
        %dma_wait3A_123 = tpu.memref_slice %arg7[%dma_wait3A] : memref<10240xf32, #tpu.memory_space<vmem_shared>> -> memref<10240xf32, #tpu.memory_space<vmem_shared>>
        tpu.wait_indirect_dma semaphore(%run_scoped3A : memref<!tpu.dma_semaphore, #tpu.memory_space<semaphore_mem>>) src(%arg5 : memref<128xf32, #tpu.memory_space<vmem>>) dst(%dma_wait3A_123 : memref<10240xf32, #tpu.memory_space<vmem_shared>>)
        tpu.yield
      }) : () -> ()
    }
    %scan3A_109 = arith.constant 80 : i32
    %barrier3A_110 = arith.constant 0 : index
    tpu.barrier barrier_id(%barrier3A_110)
    %mul3A_111 = arith.constant 10240 : i32
    %mul3A_112 = arith.muli %arg0, %mul3A_111 : i32
    %mul3A_113 = arith.constant 640 : i32
    %mul3A_114 = arith.muli %arg1, %mul3A_113 : i32
    %add3A_115 = arith.addi %mul3A_112, %mul3A_114 : i32
    %multiple_of3A_116 = tpu.assume_multiple %add3A_115, 8 : i32
    "tpu.region"() ({
      %run_scoped3A = tpu.sem_alloc : memref<!tpu.dma_semaphore, #tpu.memory_space<semaphore_mem>>
      %dma_start3A = tpu.memref_slice %arg3[%multiple_of3A_116] : memref<20480xf32, #tpu.memory_space<hbm>> -> memref<640xf32, #tpu.memory_space<hbm>>
      %dma_start3A_117 = tpu.memref_slice %arg7[%multiple_of3A] : memref<10240xf32, #tpu.memory_space<vmem_shared>> -> memref<640xf32, #tpu.memory_space<vmem_shared>>
      tpu.enqueue_dma source(%dma_start3A_117 : memref<640xf32, #tpu.memory_space<vmem_shared>>) target(%dma_start3A : memref<640xf32, #tpu.memory_space<hbm>>) target_semaphore(%run_scoped3A : memref<!tpu.dma_semaphore, #tpu.memory_space<semaphore_mem>>)
      %dma_wait3A = tpu.memref_slice %arg3[%multiple_of3A_116] : memref<20480xf32, #tpu.memory_space<hbm>> -> memref<640xf32, #tpu.memory_space<hbm>>
      %dma_wait3A_118 = tpu.memref_slice %arg7[%multiple_of3A] : memref<10240xf32, #tpu.memory_space<vmem_shared>> -> memref<640xf32, #tpu.memory_space<vmem_shared>>
      tpu.wait_dma2 semaphore(%run_scoped3A : memref<!tpu.dma_semaphore, #tpu.memory_space<semaphore_mem>>) src(%dma_wait3A_118 : memref<640xf32, #tpu.memory_space<vmem_shared>>) dst(%dma_wait3A : memref<640xf32, #tpu.memory_space<hbm>>)
      tpu.yield
    }) : () -> ()
    return
  }
}

#map = affine_map<(d0, d1) -> (0)>
#map1 = affine_map<(d0, d1) -> (0, 0)>
module attributes {stable_mosaic.version = 14 : i64} {
  func.func @scat_kernel(%arg0: i32, %arg1: i32, %arg2: memref<327808xi32, #tpu.memory_space<hbm>>, %arg3: memref<327808xi32, #tpu.memory_space<hbm>>, %arg4: memref<10000x128xf32, #tpu.memory_space<hbm>>, %arg5: memref<10112x128xf32, #tpu.memory_space<hbm>>, %arg6: memref<20224x128xf32, #tpu.memory_space<hbm>>, %arg7: memref<128xi32, #tpu.memory_space<vmem>>, %arg8: memref<128xi32, #tpu.memory_space<vmem>>, %arg9: memref<128x128xf32, #tpu.memory_space<vmem>>, %arg10: memref<10112x128xf32, #tpu.memory_space<vmem_shared>>, %arg11: memref<!tpu.dma_semaphore, #tpu.memory_space<semaphore_mem>>) attributes {dimension_semantics = [#tpu.dimension_semantics<core_parallel>, #tpu.dimension_semantics<subcore_parallel>], iteration_bounds = array<i64: 2, 16>, scalar_prefetch = 0 : i64, scratch_operands = 5 : i64, tpu.core_type = #tpu.core_type<sc_vector_subcore>, window_params = [{transform_indices = #map}, {transform_indices = #map}, {transform_indices = #map1}, {transform_indices = #map1}, {transform_indices = #map1}]} {
    %mul3A = arith.constant 2 : i32
    %mul3A_0 = arith.muli %arg1, %mul3A : i32
    %add3A = arith.addi %mul3A_0, %arg0 : i32
    %mul3A_1 = arith.constant 632 : i32
    %mul3A_2 = arith.muli %arg1, %mul3A_1 : i32
    %multiple_of3A = tpu.assume_multiple %mul3A_2, 8 : i32
    "tpu.region"() ({
      %run_scoped3A = tpu.sem_alloc : memref<!tpu.dma_semaphore, #tpu.memory_space<semaphore_mem>>
      %dma_start3A = arith.constant 0 : i32
      %dma_start3A_17 = tpu.memref_slice %arg10[%multiple_of3A, %dma_start3A] : memref<10112x128xf32, #tpu.memory_space<vmem_shared>> -> memref<632x128xf32, #tpu.memory_space<vmem_shared>>
      %dma_start3A_18 = arith.constant 0 : i32
      %dma_start3A_19 = tpu.memref_slice %arg5[%multiple_of3A, %dma_start3A_18] : memref<10112x128xf32, #tpu.memory_space<hbm>> -> memref<632x128xf32, #tpu.memory_space<hbm>>
      tpu.enqueue_dma source(%dma_start3A_19 : memref<632x128xf32, #tpu.memory_space<hbm>>) target(%dma_start3A_17 : memref<632x128xf32, #tpu.memory_space<vmem_shared>>) target_semaphore(%run_scoped3A : memref<!tpu.dma_semaphore, #tpu.memory_space<semaphore_mem>>)
      %dma_wait3A = arith.constant 0 : i32
      %dma_wait3A_20 = tpu.memref_slice %arg10[%multiple_of3A, %dma_wait3A] : memref<10112x128xf32, #tpu.memory_space<vmem_shared>> -> memref<632x128xf32, #tpu.memory_space<vmem_shared>>
      %dma_wait3A_21 = arith.constant 0 : i32
      %dma_wait3A_22 = tpu.memref_slice %arg5[%multiple_of3A, %dma_wait3A_21] : memref<10112x128xf32, #tpu.memory_space<hbm>> -> memref<632x128xf32, #tpu.memory_space<hbm>>
      tpu.wait_dma2 semaphore(%run_scoped3A : memref<!tpu.dma_semaphore, #tpu.memory_space<semaphore_mem>>) src(%dma_wait3A_22 : memref<632x128xf32, #tpu.memory_space<hbm>>) dst(%dma_wait3A_20 : memref<632x128xf32, #tpu.memory_space<vmem_shared>>)
      tpu.yield
    }) : () -> ()
    %barrier3A = arith.constant 0 : index
    tpu.barrier barrier_id(%barrier3A)
    %mul3A_3 = arith.constant 10240 : i32
    %mul3A_4 = arith.muli %add3A, %mul3A_3 : i32
    %scan3A = arith.constant 0 : i32
    %scan3A_5 = arith.constant 0 : i32
    %scan3A_6 = arith.constant 80 : i32
    %scan3A_7 = arith.addi %scan3A_5, %scan3A_6 : i32
    %scan3A_8 = arith.constant 1 : i32
    scf.for %scan3A_17 = %scan3A_5 to %scan3A_7 step %scan3A_8  : i32 {
      %mul3A_18 = arith.constant 128 : i32
      %mul3A_19 = arith.muli %scan3A_17, %mul3A_18 : i32
      %add3A_20 = arith.addi %mul3A_4, %mul3A_19 : i32
      %multiple_of3A_21 = tpu.assume_multiple %add3A_20, 128 : i32
      "tpu.region"() ({
        %run_scoped3A = tpu.sem_alloc : memref<!tpu.dma_semaphore, #tpu.memory_space<semaphore_mem>>
        %dma_start3A_26 = tpu.memref_slice %arg2[%multiple_of3A_21] : memref<327808xi32, #tpu.memory_space<hbm>> -> memref<128xi32, #tpu.memory_space<hbm>>
        %dma_start3A_27 = tpu.memref_slice %arg2[%multiple_of3A_21] : memref<327808xi32, #tpu.memory_space<hbm>> -> memref<128xi32, #tpu.memory_space<hbm>>
        tpu.enqueue_dma source(%dma_start3A_27 : memref<128xi32, #tpu.memory_space<hbm>>) target(%arg7 : memref<128xi32, #tpu.memory_space<vmem>>) target_semaphore(%run_scoped3A : memref<!tpu.dma_semaphore, #tpu.memory_space<semaphore_mem>>)
        %dma_wait3A_28 = tpu.memref_slice %arg2[%multiple_of3A_21] : memref<327808xi32, #tpu.memory_space<hbm>> -> memref<128xi32, #tpu.memory_space<hbm>>
        %dma_wait3A_29 = tpu.memref_slice %arg2[%multiple_of3A_21] : memref<327808xi32, #tpu.memory_space<hbm>> -> memref<128xi32, #tpu.memory_space<hbm>>
        tpu.wait_dma2 semaphore(%run_scoped3A : memref<!tpu.dma_semaphore, #tpu.memory_space<semaphore_mem>>) src(%dma_wait3A_29 : memref<128xi32, #tpu.memory_space<hbm>>) dst(%arg7 : memref<128xi32, #tpu.memory_space<vmem>>)
        tpu.yield
      }) : () -> ()
      "tpu.region"() ({
        %run_scoped3A = tpu.sem_alloc : memref<!tpu.dma_semaphore, #tpu.memory_space<semaphore_mem>>
        %dma_start3A_26 = tpu.memref_slice %arg3[%multiple_of3A_21] : memref<327808xi32, #tpu.memory_space<hbm>> -> memref<128xi32, #tpu.memory_space<hbm>>
        %dma_start3A_27 = tpu.memref_slice %arg3[%multiple_of3A_21] : memref<327808xi32, #tpu.memory_space<hbm>> -> memref<128xi32, #tpu.memory_space<hbm>>
        tpu.enqueue_dma source(%dma_start3A_27 : memref<128xi32, #tpu.memory_space<hbm>>) target(%arg8 : memref<128xi32, #tpu.memory_space<vmem>>) target_semaphore(%run_scoped3A : memref<!tpu.dma_semaphore, #tpu.memory_space<semaphore_mem>>)
        %dma_wait3A_28 = tpu.memref_slice %arg3[%multiple_of3A_21] : memref<327808xi32, #tpu.memory_space<hbm>> -> memref<128xi32, #tpu.memory_space<hbm>>
        %dma_wait3A_29 = tpu.memref_slice %arg3[%multiple_of3A_21] : memref<327808xi32, #tpu.memory_space<hbm>> -> memref<128xi32, #tpu.memory_space<hbm>>
        tpu.wait_dma2 semaphore(%run_scoped3A : memref<!tpu.dma_semaphore, #tpu.memory_space<semaphore_mem>>) src(%dma_wait3A_29 : memref<128xi32, #tpu.memory_space<hbm>>) dst(%arg8 : memref<128xi32, #tpu.memory_space<vmem>>)
        tpu.yield
      }) : () -> ()
      %dma_start3A = arith.constant 0 : i32
      %dma_start3A_22 = arith.constant 0 : i32
      %dma_start3A_23 = tpu.memref_slice %arg4[%dma_start3A, %dma_start3A_22] : memref<10000x128xf32, #tpu.memory_space<hbm>> -> memref<10000x128xf32, #tpu.memory_space<hbm>>
      tpu.enqueue_indirect_dma source(%dma_start3A_23 : memref<10000x128xf32, #tpu.memory_space<hbm>>) target(%arg9 : memref<128x128xf32, #tpu.memory_space<vmem>>) offsets(%arg7 : memref<128xi32, #tpu.memory_space<vmem>>) semaphore(%arg11 : memref<!tpu.dma_semaphore, #tpu.memory_space<semaphore_mem>>)
      %dma_wait3A = arith.constant 0 : i32
      %dma_wait3A_24 = arith.constant 0 : i32
      %dma_wait3A_25 = tpu.memref_slice %arg4[%dma_wait3A, %dma_wait3A_24] : memref<10000x128xf32, #tpu.memory_space<hbm>> -> memref<10000x128xf32, #tpu.memory_space<hbm>>
      tpu.wait_indirect_dma semaphore(%arg11 : memref<!tpu.dma_semaphore, #tpu.memory_space<semaphore_mem>>) src(%dma_wait3A_25 : memref<10000x128xf32, #tpu.memory_space<hbm>>) dst(%arg9 : memref<128x128xf32, #tpu.memory_space<vmem>>)
      "tpu.region"() ({
        %run_scoped3A = tpu.sem_alloc : memref<!tpu.dma_semaphore, #tpu.memory_space<semaphore_mem>>
        %dma_start3A_26 = arith.constant 0 : i32
        %dma_start3A_27 = arith.constant 0 : i32
        %dma_start3A_28 = tpu.memref_slice %arg10[%dma_start3A_26, %dma_start3A_27] : memref<10112x128xf32, #tpu.memory_space<vmem_shared>> -> memref<10112x128xf32, #tpu.memory_space<vmem_shared>>
        tpu.enqueue_indirect_dma source(%arg9 : memref<128x128xf32, #tpu.memory_space<vmem>>) target(%dma_start3A_28 : memref<10112x128xf32, #tpu.memory_space<vmem_shared>>) offsets(%arg8 : memref<128xi32, #tpu.memory_space<vmem>>) semaphore(%run_scoped3A : memref<!tpu.dma_semaphore, #tpu.memory_space<semaphore_mem>>) {add = true}
        %dma_wait3A_29 = arith.constant 0 : i32
        %dma_wait3A_30 = arith.constant 0 : i32
        %dma_wait3A_31 = tpu.memref_slice %arg10[%dma_wait3A_29, %dma_wait3A_30] : memref<10112x128xf32, #tpu.memory_space<vmem_shared>> -> memref<10112x128xf32, #tpu.memory_space<vmem_shared>>
        tpu.wait_indirect_dma semaphore(%run_scoped3A : memref<!tpu.dma_semaphore, #tpu.memory_space<semaphore_mem>>) src(%arg9 : memref<128x128xf32, #tpu.memory_space<vmem>>) dst(%dma_wait3A_31 : memref<10112x128xf32, #tpu.memory_space<vmem_shared>>)
        tpu.yield
      }) : () -> ()
    }
    %scan3A_9 = arith.constant 80 : i32
    %barrier3A_10 = arith.constant 0 : index
    tpu.barrier barrier_id(%barrier3A_10)
    %mul3A_11 = arith.constant 10112 : i32
    %mul3A_12 = arith.muli %arg0, %mul3A_11 : i32
    %mul3A_13 = arith.constant 632 : i32
    %mul3A_14 = arith.muli %arg1, %mul3A_13 : i32
    %add3A_15 = arith.addi %mul3A_12, %mul3A_14 : i32
    %multiple_of3A_16 = tpu.assume_multiple %add3A_15, 8 : i32
    "tpu.region"() ({
      %run_scoped3A = tpu.sem_alloc : memref<!tpu.dma_semaphore, #tpu.memory_space<semaphore_mem>>
      %dma_start3A = arith.constant 0 : i32
      %dma_start3A_17 = tpu.memref_slice %arg6[%multiple_of3A_16, %dma_start3A] : memref<20224x128xf32, #tpu.memory_space<hbm>> -> memref<632x128xf32, #tpu.memory_space<hbm>>
      %dma_start3A_18 = arith.constant 0 : i32
      %dma_start3A_19 = tpu.memref_slice %arg10[%multiple_of3A, %dma_start3A_18] : memref<10112x128xf32, #tpu.memory_space<vmem_shared>> -> memref<632x128xf32, #tpu.memory_space<vmem_shared>>
      tpu.enqueue_dma source(%dma_start3A_19 : memref<632x128xf32, #tpu.memory_space<vmem_shared>>) target(%dma_start3A_17 : memref<632x128xf32, #tpu.memory_space<hbm>>) target_semaphore(%run_scoped3A : memref<!tpu.dma_semaphore, #tpu.memory_space<semaphore_mem>>)
      %dma_wait3A = arith.constant 0 : i32
      %dma_wait3A_20 = tpu.memref_slice %arg6[%multiple_of3A_16, %dma_wait3A] : memref<20224x128xf32, #tpu.memory_space<hbm>> -> memref<632x128xf32, #tpu.memory_space<hbm>>
      %dma_wait3A_21 = arith.constant 0 : i32
      %dma_wait3A_22 = tpu.memref_slice %arg10[%multiple_of3A, %dma_wait3A_21] : memref<10112x128xf32, #tpu.memory_space<vmem_shared>> -> memref<632x128xf32, #tpu.memory_space<vmem_shared>>
      tpu.wait_dma2 semaphore(%run_scoped3A : memref<!tpu.dma_semaphore, #tpu.memory_space<semaphore_mem>>) src(%dma_wait3A_22 : memref<632x128xf32, #tpu.memory_space<vmem_shared>>) dst(%dma_wait3A_20 : memref<632x128xf32, #tpu.memory_space<hbm>>)
      tpu.yield
    }) : () -> ()
    return
  }
}

module attributes {stable_mosaic.version = 14 : i64} {
  func.func @_mm_body(%arg0: i32, %arg1: memref<1000x128xf32, #tpu.memory_space<vmem>>, %arg2: memref<128x128xf32, #tpu.memory_space<vmem>>, %arg3: memref<1000x128xf32, #tpu.memory_space<vmem>>) attributes {dimension_semantics = [#tpu.dimension_semantics<arbitrary>], iteration_bounds = array<i64: 10>, scalar_prefetch = 0 : i64, scratch_operands = 0 : i64, tpu.core_type = #tpu.core_type<tc>, window_params = [{transform_indices = @transform_0, window_bounds = array<i64: 1000, 128>}, {pipeline_mode = #tpu.pipeline_mode<synchronous>, transform_indices = @transform_1, window_bounds = array<i64: 128, 128>}, {transform_indices = @transform_2, window_bounds = array<i64: 1000, 128>}]} {
    %get3A = arith.constant 0 : index
    %get3A_0 = arith.constant 0 : index
    %get3A_1 = vector.load %arg1[%get3A, %get3A_0] : memref<1000x128xf32, #tpu.memory_space<vmem>>, vector<1000x128xf32>
    %get3A_2 = arith.constant 0 : index
    %get3A_3 = arith.constant 0 : index
    %get3A_4 = vector.load %arg2[%get3A_2, %get3A_3] : memref<128x128xf32, #tpu.memory_space<vmem>>, vector<128x128xf32>
    %dot_general3A = arith.constant dense<0.000000e+00> : vector<1000x128xf32>
    %dot_general3A_5 = tpu.matmul %get3A_1, %get3A_4, %dot_general3A {dimension_numbers = #tpu.dot_dimension_numbers<[1], [0], [0], [1], [0, 0, 1, 1], [], []>, transpose_lhs_hint = false} : vector<1000x128xf32>, vector<128x128xf32>, vector<1000x128xf32> -> vector<1000x128xf32>
    %swap3A = arith.constant 0 : index
    %swap3A_6 = arith.constant 0 : index
    %swap3A_7 = vector.load %arg3[%swap3A, %swap3A_6] : memref<1000x128xf32, #tpu.memory_space<vmem>>, vector<1000x128xf32>
    tpu.vector_store %arg3[%swap3A, %swap3A_6], %dot_general3A_5 {strides = array<i32>} : memref<1000x128xf32, #tpu.memory_space<vmem>>, vector<1000x128xf32>,
    return
  }
  func.func @transform_0(%arg0: i32) -> (i32, i32) {
    %c0_i32 = arith.constant 0 : i32
    %c0_i32_0 = arith.constant 0 : i32
    return %arg0, %c0_i32 : i32, i32
  }
  func.func @transform_1(%arg0: i32) -> (i32, i32) {
    %c0_i32 = arith.constant 0 : i32
    %c0_i32_0 = arith.constant 0 : i32
    %c0_i32_1 = arith.constant 0 : i32
    return %c0_i32, %c0_i32_0 : i32, i32
  }
  func.func @transform_2(%arg0: i32) -> (i32, i32) {
    %c0_i32 = arith.constant 0 : i32
    %c0_i32_0 = arith.constant 0 : i32
    return %arg0, %c0_i32 : i32, i32
  }
}

module attributes {stable_mosaic.version = 14 : i64} {
  func.func @_dis_body(%arg0: i32, %arg1: memref<1000x1xf32, #tpu.memory_space<vmem>>, %arg2: memref<1000x1xf32, #tpu.memory_space<vmem>>, %arg3: memref<1000x128xf32, #tpu.memory_space<vmem>>, %arg4: memref<1000x1xf32, #tpu.memory_space<vmem>>, %arg5: memref<1000x128xf32, #tpu.memory_space<vmem>>) attributes {dimension_semantics = [#tpu.dimension_semantics<arbitrary>], iteration_bounds = array<i64: 10>, scalar_prefetch = 0 : i64, scratch_operands = 0 : i64, tpu.core_type = #tpu.core_type<tc>, window_params = [{transform_indices = @transform_0, window_bounds = array<i64: 1000, 1>}, {transform_indices = @transform_1, window_bounds = array<i64: 1000, 1>}, {transform_indices = @transform_2, window_bounds = array<i64: 1000, 128>}, {transform_indices = @transform_3, window_bounds = array<i64: 1000, 1>}, {transform_indices = @transform_4, window_bounds = array<i64: 1000, 128>}]} {
    %get3A = arith.constant 0 : index
    %get3A_0 = arith.constant 0 : index
    %get3A_1 = vector.load %arg1[%get3A, %get3A_0] : memref<1000x1xf32, #tpu.memory_space<vmem>>, vector<1000x1xf32>
    %get3A_2 = arith.constant 0 : index
    %get3A_3 = arith.constant 0 : index
    %get3A_4 = vector.load %arg2[%get3A_2, %get3A_3] : memref<1000x1xf32, #tpu.memory_space<vmem>>, vector<1000x1xf32>
    %add3A = arith.addf %get3A_1, %get3A_4 : vector<1000x1xf32>
    %add3A_5 = arith.constant 1.000000e+00 : f32
    %add3A_6 = vector.broadcast %add3A_5 : f32 to vector<1000x1xf32>
    %add3A_7 = arith.addf %add3A, %add3A_6 : vector<1000x1xf32>
    %rsqrt3A = math.rsqrt %add3A_7 : vector<1000x1xf32>
    %swap3A = arith.constant 0 : index
    %swap3A_8 = arith.constant 0 : index
    %swap3A_9 = vector.load %arg4[%swap3A, %swap3A_8] : memref<1000x1xf32, #tpu.memory_space<vmem>>, vector<1000x1xf32>
    tpu.vector_store %arg4[%swap3A, %swap3A_8], %rsqrt3A {strides = array<i32>} : memref<1000x1xf32, #tpu.memory_space<vmem>>, vector<1000x1xf32>,
    %get3A_10 = arith.constant 0 : index
    %get3A_11 = arith.constant 0 : index
    %get3A_12 = vector.load %arg3[%get3A_10, %get3A_11] : memref<1000x128xf32, #tpu.memory_space<vmem>>, vector<1000x128xf32>
    %mul3A = vector.broadcast %rsqrt3A : vector<1000x1xf32> to vector<1000x128xf32>
    %mul3A_13 = arith.mulf %get3A_12, %mul3A : vector<1000x128xf32>
    %swap3A_14 = arith.constant 0 : index
    %swap3A_15 = arith.constant 0 : index
    %swap3A_16 = vector.load %arg5[%swap3A_14, %swap3A_15] : memref<1000x128xf32, #tpu.memory_space<vmem>>, vector<1000x128xf32>
    tpu.vector_store %arg5[%swap3A_14, %swap3A_15], %mul3A_13 {strides = array<i32>} : memref<1000x128xf32, #tpu.memory_space<vmem>>, vector<1000x128xf32>,
    return
  }
  func.func @transform_0(%arg0: i32) -> (i32, i32) {
    %c0_i32 = arith.constant 0 : i32
    %c0_i32_0 = arith.constant 0 : i32
    return %arg0, %c0_i32 : i32, i32
  }
  func.func @transform_1(%arg0: i32) -> (i32, i32) {
    %c0_i32 = arith.constant 0 : i32
    %c0_i32_0 = arith.constant 0 : i32
    return %arg0, %c0_i32 : i32, i32
  }
  func.func @transform_2(%arg0: i32) -> (i32, i32) {
    %c0_i32 = arith.constant 0 : i32
    %c0_i32_0 = arith.constant 0 : i32
    return %arg0, %c0_i32 : i32, i32
  }
  func.func @transform_3(%arg0: i32) -> (i32, i32) {
    %c0_i32 = arith.constant 0 : i32
    %c0_i32_0 = arith.constant 0 : i32
    return %arg0, %c0_i32 : i32, i32
  }
  func.func @transform_4(%arg0: i32) -> (i32, i32) {
    %c0_i32 = arith.constant 0 : i32
    %c0_i32_0 = arith.constant 0 : i32
    return %arg0, %c0_i32 : i32, i32
  }
}

module attributes {stable_mosaic.version = 14 : i64} {
  func.func @_mid_body(%arg0: i32, %arg1: memref<1000x128xf32, #tpu.memory_space<vmem>>, %arg2: memref<1000x128xf32, #tpu.memory_space<vmem>>, %arg3: memref<1000x128xf32, #tpu.memory_space<vmem>>, %arg4: memref<1000x1xf32, #tpu.memory_space<vmem>>, %arg5: memref<1x128xf32, #tpu.memory_space<vmem>>, %arg6: memref<128x128xf32, #tpu.memory_space<vmem>>, %arg7: memref<1000x128xf32, #tpu.memory_space<vmem>>) attributes {dimension_semantics = [#tpu.dimension_semantics<arbitrary>], iteration_bounds = array<i64: 10>, scalar_prefetch = 0 : i64, scratch_operands = 0 : i64, tpu.core_type = #tpu.core_type<tc>, window_params = [{transform_indices = @transform_0, window_bounds = array<i64: 1000, 128>}, {transform_indices = @transform_1, window_bounds = array<i64: 1000, 128>}, {transform_indices = @transform_2, window_bounds = array<i64: 1000, 128>}, {transform_indices = @transform_3, window_bounds = array<i64: 1000, 1>}, {pipeline_mode = #tpu.pipeline_mode<synchronous>, transform_indices = @transform_4, window_bounds = array<i64: 1, 128>}, {pipeline_mode = #tpu.pipeline_mode<synchronous>, transform_indices = @transform_5, window_bounds = array<i64: 128, 128>}, {transform_indices = @transform_6, window_bounds = array<i64: 1000, 128>}]} {
    %get3A = arith.constant 0 : index
    %get3A_0 = arith.constant 0 : index
    %get3A_1 = vector.load %arg4[%get3A, %get3A_0] : memref<1000x1xf32, #tpu.memory_space<vmem>>, vector<1000x1xf32>
    %get3A_2 = arith.constant 0 : index
    %get3A_3 = arith.constant 0 : index
    %get3A_4 = vector.load %arg1[%get3A_2, %get3A_3] : memref<1000x128xf32, #tpu.memory_space<vmem>>, vector<1000x128xf32>
    %get3A_5 = arith.constant 0 : index
    %get3A_6 = arith.constant 0 : index
    %get3A_7 = vector.load %arg2[%get3A_5, %get3A_6] : memref<1000x128xf32, #tpu.memory_space<vmem>>, vector<1000x128xf32>
    %add3A = arith.addf %get3A_4, %get3A_7 : vector<1000x128xf32>
    %get3A_8 = arith.constant 0 : index
    %get3A_9 = arith.constant 0 : index
    %get3A_10 = vector.load %arg3[%get3A_8, %get3A_9] : memref<1000x128xf32, #tpu.memory_space<vmem>>, vector<1000x128xf32>
    %add3A_11 = arith.addf %add3A, %get3A_10 : vector<1000x128xf32>
    %mul3A = vector.broadcast %get3A_1 : vector<1000x1xf32> to vector<1000x128xf32>
    %mul3A_12 = arith.mulf %add3A_11, %mul3A : vector<1000x128xf32>
    %get3A_13 = arith.constant 0 : index
    %get3A_14 = arith.constant 0 : index
    %get3A_15 = vector.load %arg5[%get3A_13, %get3A_14] : memref<1x128xf32, #tpu.memory_space<vmem>>, vector<1x128xf32>
    %add3A_16 = vector.broadcast %get3A_15 : vector<1x128xf32> to vector<1000x128xf32>
    %add3A_17 = arith.addf %mul3A_12, %add3A_16 : vector<1000x128xf32>
    %max3A = arith.constant 0.000000e+00 : f32
    %max3A_18 = vector.broadcast %max3A : f32 to vector<1000x128xf32>
    %max3A_19 = arith.maximumf %add3A_17, %max3A_18 : vector<1000x128xf32>
    %get3A_20 = arith.constant 0 : index
    %get3A_21 = arith.constant 0 : index
    %get3A_22 = vector.load %arg6[%get3A_20, %get3A_21] : memref<128x128xf32, #tpu.memory_space<vmem>>, vector<128x128xf32>
    %dot_general3A = arith.constant dense<0.000000e+00> : vector<1000x128xf32>
    %dot_general3A_23 = tpu.matmul %max3A_19, %get3A_22, %dot_general3A {dimension_numbers = #tpu.dot_dimension_numbers<[1], [0], [0], [1], [0, 0, 1, 1], [], []>, transpose_lhs_hint = false} : vector<1000x128xf32>, vector<128x128xf32>, vector<1000x128xf32> -> vector<1000x128xf32>
    %mul3A_24 = vector.broadcast %get3A_1 : vector<1000x1xf32> to vector<1000x128xf32>
    %mul3A_25 = arith.mulf %dot_general3A_23, %mul3A_24 : vector<1000x128xf32>
    %swap3A = arith.constant 0 : index
    %swap3A_26 = arith.constant 0 : index
    %swap3A_27 = vector.load %arg7[%swap3A, %swap3A_26] : memref<1000x128xf32, #tpu.memory_space<vmem>>, vector<1000x128xf32>
    tpu.vector_store %arg7[%swap3A, %swap3A_26], %mul3A_25 {strides = array<i32>} : memref<1000x128xf32, #tpu.memory_space<vmem>>, vector<1000x128xf32>,
    return
  }
  func.func @transform_0(%arg0: i32) -> (i32, i32) {
    %c0_i32 = arith.constant 0 : i32
    %c0_i32_0 = arith.constant 0 : i32
    return %arg0, %c0_i32 : i32, i32
  }
  func.func @transform_1(%arg0: i32) -> (i32, i32) {
    %c0_i32 = arith.constant 0 : i32
    %c0_i32_0 = arith.constant 0 : i32
    return %arg0, %c0_i32 : i32, i32
  }
  func.func @transform_2(%arg0: i32) -> (i32, i32) {
    %c0_i32 = arith.constant 0 : i32
    %c0_i32_0 = arith.constant 0 : i32
    return %arg0, %c0_i32 : i32, i32
  }
  func.func @transform_3(%arg0: i32) -> (i32, i32) {
    %c0_i32 = arith.constant 0 : i32
    %c0_i32_0 = arith.constant 0 : i32
    return %arg0, %c0_i32 : i32, i32
  }
  func.func @transform_4(%arg0: i32) -> (i32, i32) {
    %c0_i32 = arith.constant 0 : i32
    %c0_i32_0 = arith.constant 0 : i32
    %c0_i32_1 = arith.constant 0 : i32
    return %c0_i32, %c0_i32_0 : i32, i32
  }
  func.func @transform_5(%arg0: i32) -> (i32, i32) {
    %c0_i32 = arith.constant 0 : i32
    %c0_i32_0 = arith.constant 0 : i32
    %c0_i32_1 = arith.constant 0 : i32
    return %c0_i32, %c0_i32_0 : i32, i32
  }
  func.func @transform_6(%arg0: i32) -> (i32, i32) {
    %c0_i32 = arith.constant 0 : i32
    %c0_i32_0 = arith.constant 0 : i32
    return %arg0, %c0_i32 : i32, i32
  }
}

module attributes {stable_mosaic.version = 14 : i64} {
  func.func @_fin_body(%arg0: i32, %arg1: memref<1000x128xf32, #tpu.memory_space<vmem>>, %arg2: memref<1000x128xf32, #tpu.memory_space<vmem>>, %arg3: memref<1000x128xf32, #tpu.memory_space<vmem>>, %arg4: memref<1000x1xf32, #tpu.memory_space<vmem>>, %arg5: memref<1x128xf32, #tpu.memory_space<vmem>>, %arg6: memref<1000x128xf32, #tpu.memory_space<vmem>>) attributes {dimension_semantics = [#tpu.dimension_semantics<arbitrary>], iteration_bounds = array<i64: 10>, scalar_prefetch = 0 : i64, scratch_operands = 0 : i64, tpu.core_type = #tpu.core_type<tc>, window_params = [{transform_indices = @transform_0, window_bounds = array<i64: 1000, 128>}, {transform_indices = @transform_1, window_bounds = array<i64: 1000, 128>}, {transform_indices = @transform_2, window_bounds = array<i64: 1000, 128>}, {transform_indices = @transform_3, window_bounds = array<i64: 1000, 1>}, {pipeline_mode = #tpu.pipeline_mode<synchronous>, transform_indices = @transform_4, window_bounds = array<i64: 1, 128>}, {transform_indices = @transform_5, window_bounds = array<i64: 1000, 128>}]} {
    %get3A = arith.constant 0 : index
    %get3A_0 = arith.constant 0 : index
    %get3A_1 = vector.load %arg1[%get3A, %get3A_0] : memref<1000x128xf32, #tpu.memory_space<vmem>>, vector<1000x128xf32>
    %get3A_2 = arith.constant 0 : index
    %get3A_3 = arith.constant 0 : index
    %get3A_4 = vector.load %arg2[%get3A_2, %get3A_3] : memref<1000x128xf32, #tpu.memory_space<vmem>>, vector<1000x128xf32>
    %add3A = arith.addf %get3A_1, %get3A_4 : vector<1000x128xf32>
    %get3A_5 = arith.constant 0 : index
    %get3A_6 = arith.constant 0 : index
    %get3A_7 = vector.load %arg3[%get3A_5, %get3A_6] : memref<1000x128xf32, #tpu.memory_space<vmem>>, vector<1000x128xf32>
    %add3A_8 = arith.addf %add3A, %get3A_7 : vector<1000x128xf32>
    %get3A_9 = arith.constant 0 : index
    %get3A_10 = arith.constant 0 : index
    %get3A_11 = vector.load %arg4[%get3A_9, %get3A_10] : memref<1000x1xf32, #tpu.memory_space<vmem>>, vector<1000x1xf32>
    %mul3A = vector.broadcast %get3A_11 : vector<1000x1xf32> to vector<1000x128xf32>
    %mul3A_12 = arith.mulf %add3A_8, %mul3A : vector<1000x128xf32>
    %get3A_13 = arith.constant 0 : index
    %get3A_14 = arith.constant 0 : index
    %get3A_15 = vector.load %arg5[%get3A_13, %get3A_14] : memref<1x128xf32, #tpu.memory_space<vmem>>, vector<1x128xf32>
    %add3A_16 = vector.broadcast %get3A_15 : vector<1x128xf32> to vector<1000x128xf32>
    %add3A_17 = arith.addf %mul3A_12, %add3A_16 : vector<1000x128xf32>
    %swap3A = arith.constant 0 : index
    %swap3A_18 = arith.constant 0 : index
    %swap3A_19 = vector.load %arg6[%swap3A, %swap3A_18] : memref<1000x128xf32, #tpu.memory_space<vmem>>, vector<1000x128xf32>
    tpu.vector_store %arg6[%swap3A, %swap3A_18], %add3A_17 {strides = array<i32>} : memref<1000x128xf32, #tpu.memory_space<vmem>>, vector<1000x128xf32>,
    return
  }
  func.func @transform_0(%arg0: i32) -> (i32, i32) {
    %c0_i32 = arith.constant 0 : i32
    %c0_i32_0 = arith.constant 0 : i32
    return %arg0, %c0_i32 : i32, i32
  }
  func.func @transform_1(%arg0: i32) -> (i32, i32) {
    %c0_i32 = arith.constant 0 : i32
    %c0_i32_0 = arith.constant 0 : i32
    return %arg0, %c0_i32 : i32, i32
  }
  func.func @transform_2(%arg0: i32) -> (i32, i32) {
    %c0_i32 = arith.constant 0 : i32
    %c0_i32_0 = arith.constant 0 : i32
    return %arg0, %c0_i32 : i32, i32
  }
  func.func @transform_3(%arg0: i32) -> (i32, i32) {
    %c0_i32 = arith.constant 0 : i32
    %c0_i32_0 = arith.constant 0 : i32
    return %arg0, %c0_i32 : i32, i32
  }
  func.func @transform_4(%arg0: i32) -> (i32, i32) {
    %c0_i32 = arith.constant 0 : i32
    %c0_i32_0 = arith.constant 0 : i32
    %c0_i32_1 = arith.constant 0 : i32
    return %c0_i32, %c0_i32_0 : i32, i32
  }
  func.func @transform_5(%arg0: i32) -> (i32, i32) {
    %c0_i32 = arith.constant 0 : i32
    %c0_i32_0 = arith.constant 0 : i32
    return %arg0, %c0_i32 : i32, i32
  }
}

</mosaic_0001>

<sc_bundles>
// kernel: kernel.12.cloned.1.call-start
scs
__scs_entry_jumppad:
0x0: {  	(pc) =	sbr.rel $0x88, $3  }
0x1: {  	(tag) =	ssettag $0x0;
	lr =	simm.s32 $0x1  }
0x2: {  	[smem:$0x3F9B] =	sst lr;
	_ =	strace $0xD0000000  }
0x3: {  	_ = 	snop  }
0x4: {  	_ = 	snop  }
0x5: {  	_ = 	snop  }
0x6: {  	_ = 	snop  }
0x7: {  	_ = 	snop  }
__scs_overlays_trampoline_lowered:
0x8: {  	[smem:$0x3FAA] =	sst s0  }
0x9: {  	[smem:$0x3FAB] =	sst s1  }
0xa: {  	[smem:$0x3FAC] =	sst s2  }
0xb: {  	[smem:$0x3FAD] =	sst s3  }
0xc: {  	[smem:$0x3FAE] =	sst s4  }
0xd: {  	[smem:$0x3FAF] =	sst s5  }
0xe: {  	[smem:$0x3FB0] =	sst s6  }
0xf: {  	[smem:$0x3FB1] =	sst s7  }
0x10: {  	[smem:$0x3FB2] =	sst s8  }
0x11: {  	[smem:$0x3FB3] =	sst s9;
	s0 =	simm.s32 @!p0 $0x0  }
0x12: {  	s1 =	sld [smem:$0x3F99];
	s0 =	simm.s32 @p0 $0x1  }
0x13: {  	[smem:$0x3FB4] =	sst s0;
	s0 =	simm.s32 @!p1 $0x0  }
0x14: {  	s2 =	sld [smem:$0x3F98];
	s0 =	simm.s32 @p1 $0x1  }
0x15: {  	[smem:$0x3FB5] =	sst s0;
	s0 =	simm.s32 @!p2 $0x0  }
0x16: {  	s3 =	sld [smem:$0x3FDB];
	s0 =	simm.s32 @p2 $0x1  }
0x17: {  	s4 =	simm.s32 $0x1BF5;
	[smem:$0x3FB7] =	sst s0  }
0x18: {  	s0 =	sld [smem:$0x3F9A];
	_ =	swait.ge [sflag:s4], $0x0  }
0x19: {  	s7 =	sld [smem:$0x3F9B]  }
0x1a: {  	s8 =	sadd.s32 $0xFFFFE003, lr  }
0x1b: {  	s9 =	sadd.s32 $0xFFFFFEF7, lr;
	s5 =	simm.s32 $0xFFFFFFFF;
	p2 =	slt.u32 s8, $0xFFFFF086  }
0x1c: {  	p1 =	slt.u32 s9, $0xF7A;
	s5 =	simm.s32 @!p2 $0x0  }
0x1d: {  	s5 =	simm.s32 @p1 $0x1;
	p0 =	seq.s32 s7, s2  }
0x1e: {  	s7 =	smul.u32 @!p0 $0xF7A, s2;
	p2 =	seq.s32 @!p0 s5, $0x0  }
0x1f: {  	s9 =	smul.u32 $0xF7A, s1;
	s8 =	simm.s32 @!p0 $0x1BF5;
	p2 =	por !p2, p0  }
0x20: {  	[sflag:s8] =	ssyncset.s32 @!p0 $0xFFFFF086;
	s6 =	sadd.s32 @!p0 s3, s7;
	s7 =	simm.s32 @!p0 $0x108  }
0x21: {  	s3 =	sadd.s32 s3, s9;
	s6 =	sadd.s32 @!p0 $0x88, s6;
	s7 =	simm.s32 @p2 $0x1082  }
0x22: {  	[simem:s7], [sflag:s8] =	dma.local @!p0 [hbm:s6], $0xF7A  }
0x23: {  	s9 =	sor.u32 $0xD0000000, s2;
	s6 =	simm.s32 $0x108;
	_ =	swait.ge @!p0 [sflag:s8], $0x0  }
0x24: {  	s3 =	sadd.s32 $0x88, s3;
	s6 =	simm.s32 @!p1 $0x1082;
	[sflag:s4] =	ssyncset.s32 $0xFFFFF086  }
0x25: {  	[simem:s6], [sflag:s4] =	dma.local [hbm:s3], $0xF7A  }
0x26: {  	[smem:$0x3F9B] =	sst s1;
	(tag) =	ssettag s2;
	_ =	strace s9  }
0x27: {  	s1 =	sld [smem:$0x3FAB]  }
0x28: {  	s2 =	sld [smem:$0x3FAC]  }
0x29: {  	s4 =	sld [smem:$0x3FAE]  }
0x2a: {  	p0 =	seq.s32 s5, $0x0;
	s5 =	sld [smem:$0x3FAF]  }
0x2b: {  	s6 =	sld [smem:$0x3FB0]  }
0x2c: {  	s7 =	sld [smem:$0x3FB1]  }
0x2d: {  	s3 =	simm.s32 $0x108;
	s8 =	sld [smem:$0x3FB2]  }
0x2e: {  	s3 =	simm.s32 @!p0 $0x1082;
	s9 =	sld [smem:$0x3FB3]  }
0x2f: {  	lr =	sadd.s32 s0, s3;
	s0 =	sld [smem:$0x3FAA]  }
0x30: {  	s3 =	sld [smem:$0x3FAD]  }
0x31: {  	[smem:$0x3FB6] =	sst s10  }
0x32: {  	s10 =	sld [smem:$0x3FB4];
	_ =	sdelay $0x3  }
0x33: {  	p0 =	seq.s32 s10, $0x1;
	s10 =	sld [smem:$0x3FB6];
	_ =	sdelay $0x3  }
0x34: {  	[smem:$0x3FB6] =	sst s10  }
0x35: {  	s10 =	sld [smem:$0x3FB5];
	_ =	sdelay $0x3  }
0x36: {  	p1 =	seq.s32 s10, $0x1;
	s10 =	sld [smem:$0x3FB6];
	_ =	sdelay $0x3  }
0x37: {  	[smem:$0x3FB6] =	sst s10  }
0x38: {  	s10 =	sld [smem:$0x3FB7]  }
0x39: {  	_ = 	snop;
	(pc) =	sbr.ind lr, $3  }
0x3a: {  	_ = 	snop  }
0x3b: {  	_ = 	snop  }
0x3c: {  	p2 =	seq.s32 s10, $0x1;
	s10 =	sld [smem:$0x3FB6]  }
0x3d: {  	_ =	shalt  }
0x3e: {  	_ =	shalt  }
0x3f: {  	_ =	shalt  }
0x40: {  	_ =	shalt  }
0x41: {  	_ =	shalt  }
0x42: {  	_ =	shalt  }
0x43: {  	_ =	shalt  }
0x44: {  	_ =	shalt  }
0x45: {  	_ =	shalt  }
0x46: {  	_ =	shalt  }
0x47: {  	_ =	shalt  }
0x48: {  	_ =	shalt  }
0x49: {  	_ =	shalt  }
0x4a: {  	_ =	shalt  }
0x4b: {  	_ =	shalt  }
0x4c: {  	_ =	shalt  }
0x4d: {  	_ =	shalt  }
0x4e: {  	_ =	shalt  }
0x4f: {  	_ =	shalt  }
0x50: {  	_ =	shalt  }
0x51: {  	_ =	shalt  }
0x52: {  	_ =	shalt  }
0x53: {  	_ =	shalt  }
0x54: {  	_ =	shalt  }
0x55: {  	_ =	shalt  }
0x56: {  	_ =	shalt  }
0x57: {  	_ =	shalt  }
0x58: {  	_ =	shalt  }
0x59: {  	_ =	shalt  }
0x5a: {  	_ =	shalt  }
0x5b: {  	_ =	shalt  }
0x5c: {  	_ =	shalt  }
0x5d: {  	_ =	shalt  }
0x5e: {  	_ =	shalt  }
0x5f: {  	_ =	shalt  }
0x60: {  	_ =	shalt  }
0x61: {  	_ =	shalt  }
0x62: {  	_ =	shalt  }
0x63: {  	_ =	shalt  }
0x64: {  	_ =	shalt  }
0x65: {  	_ =	shalt  }
0x66: {  	_ =	shalt  }
0x67: {  	_ =	shalt  }
0x68: {  	_ =	shalt  }
0x69: {  	_ =	shalt  }
0x6a: {  	_ =	shalt  }
0x6b: {  	_ =	shalt  }
0x6c: {  	_ =	shalt  }
0x6d: {  	_ =	shalt  }
0x6e: {  	_ =	shalt  }
0x6f: {  	_ =	shalt  }
0x70: {  	_ =	shalt  }
0x71: {  	_ =	shalt  }
0x72: {  	_ =	shalt  }
0x73: {  	_ =	shalt  }
0x74: {  	_ =	shalt  }
0x75: {  	_ =	shalt  }
0x76: {  	_ =	shalt  }
0x77: {  	_ =	shalt  }
0x78: {  	_ =	shalt  }
0x79: {  	_ =	shalt  }
0x7a: {  	_ =	shalt  }
0x7b: {  	_ =	shalt  }
0x7c: {  	_ =	shalt  }
0x7d: {  	_ =	shalt  }
0x7e: {  	_ =	shalt  }
0x7f: {  	_ =	shalt  }
0x80: {  	_ =	shalt  }
0x81: {  	_ =	shalt  }
0x82: {  	_ =	shalt  }
0x83: {  	_ =	shalt  }
0x84: {  	_ =	shalt  }
0x85: {  	_ =	shalt  }
0x86: {  	_ =	shalt  }
0x87: {  	_ =	shalt  }
.Lfunc_end0:
.L_simem_size_0:
called_computation.1_lowered:
.L_overlay_start_0:
0x88: {  	s2 =	sld [smem:$0x3FD9]  }
0x89: {  	s3 =	sld [smem:$0x3FFE];
	_ =	sdelay $0x1  }
0x8a: {  	s1 =	srdreg.scid  }
0x8b: {  	s0 =	sand.u32 $0x1, s1  }
0x8c: {  	s17 =	sshll.u32 s0, $0xA;
	s2 =	sadd.s32 s3, s2  }
0x8d: {  	s2 =	sadd.s32 s2, s17  }
0x8e: {  	[smem:$0x3FC2] =	sst s2  }
0x8f: {  	_ = 	snop  }
0x90: {  	s2 =	sld [smem:$0x3FD0];
	(tm) =	ssettm $0x1  }
0x91: {  	s18 =	sld [smem:$0x3FFB];
	_ =	sdelay $0x3  }
0x92: {  	_ =	strace s18  }
0x93: {  	s3 =	sld [smem:$0x3FFC];
	_ =	sdelay $0x3  }
0x94: {  	_ =	strace s3  }
0x95: {  	s3 =	sld [smem:$0x3FFD];
	_ =	sdelay $0x3  }
0x96: {  	_ =	strace s3  }
0x97: {  	_ =	strace $0x8FFFFFFF  }
0x98: {  	s19 =	sld [smem:$0x3FDB];
	_ =	sdelay $0x1  }
0x99: {  	s4 =	simm.s32 $_scs_section_size  }
0x9a: {  	s5 =	simm.s32 $_size__tile_overlayer_lowered;
	s6 =	simm.s32 $_tile_overlayer_lowered  }
0x9b: {  	s22 =	simm.s32 $0x1BFF;
	s21 =	sshll.u32 s6, $0x1;
	s3 =	sadd.s32 s4, s19  }
0x9c: {  	s7 =	simm.s32 $0x0;
	s20 =	sshll.u32 s5, $0x1;
	s5 =	sadd.s32 s21, s3  }
0x9d: {  	[timem:s7], [sflag:s22] =	dma.local [hbm:s5], s20  }
0x9e: {  	_ =	swait.ge [sflag:s22], s20  }
0x9f: {  	s4 =	ssub.s32 $0x0, s20;
	[sflag:s22] =	ssyncset.done $0x0  }
0xa0: {  	[sflag:s22] =	ssyncadd.s32 s4;
	_ =	sdelay $0x1  }
0xa1: {  	s23 =	simm.s32 $0x1B8B  }
0xa2: {  	_ =	swait.ge [sflag:s23], $0x1  }
0xa3: {  	[sflag:s23] =	ssyncset.done $0x0  }
0xa4: {  	s25 =	simm.s32 $0x1B8E;
	s24 =	sld [smem:$0x3FFE];
	[sflag:s23] =	ssyncadd.s32 $0xFFFFFFFF  }
0xa5: {  	s26 =	simm.s32 $execute0_lowered;
	[smem:$0x3FD2] =	sst s25  }
0xa6: {  	s5 =	sshll.u32 s26, $0x1;
	_ =	strace $0x80000049;
	[dreg:$0x1] =	wrdreg $0xFFFFFFFF  }
0xa7: {  	s28 =	simm.s32 $_size_execute0_lowered;
	s3 =	sadd.s32 s3, s5;
	[dreg:$0x0] =	wrdreg $0x0  }
0xa8: {  	s5 =	sshll.u32 s28, $0x1;
	[dreg:$0x2] =	wrdreg s3  }
0xa9: {  	[dreg:$0x3] =	wrdreg s5  }
0xaa: {  	[dreg:$0x4] =	wrdreg $0xC0  }
0xab: {  	_ =	task [dreg:s7], $0x5FFFF  }
0xac: {  	[dreg:$0x1] =	wrdreg $0xFFFFFFFF  }
0xad: {  	[dreg:$0x0] =	wrdreg $0x60  }
0xae: {  	[dreg:$0x2] =	wrdreg s24  }
0xaf: {  	[dreg:$0x3] =	wrdreg s2  }
0xb0: {  	[dreg:$0x4] =	wrdreg $0x41000  }
0xb1: {  	[dreg:$0x5] =	wrdreg $0x9  }
0xb2: {  	_ =	task.clear_ibuf [dreg:s7], $0x6FFFF;
	_ =	strace $0x90000049  }
0xb3: {  	s29 =	simm.s32 $0x9;
	_ =	strace $0x8000004B  }
0xb4: {  	_ =	swait.ge [sflag:s29], $0x1  }
0xb5: {  	[sflag:s29] =	ssyncadd.s32 $0xFFFFFFFF  }
0xb6: {  	_ =	strace $0x9000004B  }
0xb7: {  	_ =	sfence  }
0xb8: {  	s30 =	sld [smem:$0x0];
	_ =	sdelay $0x2  }
0xb9: {  	s31 =	sshll.u32 s1, $0xD;
	s1 =	sshrl.u32 s1, $0x2  }
0xba: {  	s3 =	sand.u32 $0x4000, s31;
	s1 =	sadd.s32 s1, s30  }
0xbb: {  	s0 =	sor.u32 s3, s0;
	s1 =	sshll.u32 s1, $0x11  }
0xbc: {  	s0 =	sor.u32 s1, s0  }
0xbd: {  	s0 =	sadd.s32 $0x8F2B, s0  }
0xbe: {  	[sflag:s0] =	ssyncadd.remote.s32 $0x1  }
0xbf: {  	_ =	sfence.sel $0xFFFF  }
0xc0: {  	[dreg:$0x0] =	wrdreg $0xFFFFFFFF;
	(pc) =	sbr.abs _section_cstart, $3  }
0xc1: {  	[dreg:$0x1] =	wrdreg $0xFFFFFFFF  }
0xc2: {  	_ =	task.clear_ibuf [dreg:s7], $0x2FFFF;
	_ =	strace $0x9FFFFFFF  }
0xc3: {  	(tm) =	ssettm $0x7FFFFFFF  }
tec
execute0_lowered:
.L_overlay_start_1:
0x0: {  	(tag) =	ssettag $0x1  }
0x1: {  	s5 =	rddreg [dreg:$0x0]  }
0x2: {  	s2 =	rddreg [dreg:$0x1]  }
0x3: {  	s3 =	rddreg [dreg:$0x2]  }
0x4: {  	s0 =	rddreg [dreg:$0x3];
	s1 =	stileid.u32  }
0x5: {  	s7 =	srdreg.scid;
	s4 =	simm.s32 $0x0;
	s6 =	smul.u32 $0xA00, s1  }
0x6: {  	s14 =	simm.s32 $0x100;
	s15 =	simm.s32 $0x1;
	s8 =	smul.u32 $0x2780, s1  }
0x7: {  	s16 =	simm.s32 $0x0;
	s7 =	sand.u32 $0x1, s7;
	s11 =	smul.u32 $0x4F000, s1  }
0x8: {  	[smem:$0x7FF] =	sst s4;
	s31 =	sshll.u32 s1, $0x6;
	s9 =	smul.u32 $0x27800, s7  }
0x9: {  	_ =	strace $0x8000004A;
	s26 =	ssub.s32 $0x2, s7;
	s30 =	smul.u32 $0x500, s7  }
0xa: {  	s10 =	sadd.s32 s6, s5;
	s28 =	sshrl.u32 s26, $0x1;
	s29 =	sshrl.u32 s11, $0x2  }
0xb: {  	s6 =	sor.u32 $0x1C02, s31;
	s25 =	sadd.s32 s8, s9;
	s8 =	sadd.s32 s8, s5  }
0xc: {  	s9 =	ssub.s32 s26, s28;
	s13 =	sadd.s32 s29, s3;
	s10 =	sadd.s32 s30, s10  }
0xd: {  	s12 =	sadd.s32 s25, s5;
	s5 =	sadd.s32 $0x3F600, s8;
	s8 =	smax.u32 s9, $0x1  }
0xe: {  	s9 =	sadd.s32 $0x3600, s10;
	s10 =	sadd.s32 $0xE200, s10;
	s11 =	sshrl.u32 s13, $0x3  }
0xf: {  	s13 =	simm.s32 $0x80;
	s7 =	sadd.s32 $0x66E00, s12;
	s12 =	simm.s32 $0x2  }
.LBB2_1:
0x10: {  	[spmem:s11], [sflag:s6] =	dma.local [hbm:s5], $0x2780  }
0x11: {  	_ =	swait.ge [sflag:s12], $0x2780  }
0x12: {  	[sflag:s12] =	ssyncset.done $0x0  }
0x13: {  	[sflag:s12] =	ssyncadd.s32 $0xFFFFD880  }
0x14: {  	s17 =	sadd.s32 $0x0, s10;
	[bflag:$0x0] =	sbarrier.arrive $0xFFFF  }
0x15: {  	[tilespmem:s4], [sflag:$0x2] =	stream.linear.gather [hbm4b:s17+s4], $0x80, $0x38;
	[tilespmem:$0x17D00] =	vst v63  }
0x16: {  	_ =	swait.ge [sflag:s12], $0x80  }
0x17: {  	[sflag:s12] =	ssyncset.done $0x0  }
0x18: {  	s31 =	sadd.s32 $0x0, s9;
	[sflag:s12] =	ssyncadd.s32 $0xFFFFFF80  }
0x19: {  	[tilespmem:s13], [sflag:$0x2] =	stream.linear.gather [hbm4b:s31+s4], $0x80, $0x38;
	[tilespmem:$0x17D00] =	vst v63  }
0x1a: {  	_ =	swait.ge [sflag:s12], $0x80  }
0x1b: {  	[sflag:s12] =	ssyncset.done $0x0  }
0x1c: {  	[sflag:s12] =	ssyncadd.s32 $0xFFFFFF80  }
0x1d: {  	[tilespmem:s14], [sflag:$0x1] =	stream.indirect.gather [hbm4b:s2+s13], $0x80, s4, s13, $0xb8;
	[tilespmem:$0x17D00] =	vst v63  }
0x1e: {  	_ =	swait.ge [sflag:s15], $0x4000  }
0x1f: {  	[sflag:s15] =	ssyncset.done $0x0  }
0x20: {  	[sflag:s15] =	ssyncadd.s32 $0xFFFFC000  }
0x21: {  	[spmem:s3] =	stream.indirect.scatter.add.f32 [tilespmem:s14], [sflag:$0x2], $0x80, s13, s13, $0xb8;
	[tilespmem:$0x17D00] =	vst v63  }
0x22: {  	_ =	swait.ge [sflag:s12], $0x4000  }
0x23: {  	s18 =	simm.s32 $0x20;
	s17 =	simm.s32 $0x10;
	[sflag:s12] =	ssyncset.done $0x0  }
.LBB2_2:
0x24: {  	s19 =	sadd.s32 s17, s10  }
0x25: {  	[sflag:s12] =	ssyncadd.s32 $0xFFFFC000;
	s20 =	smov.u32 s18;
	s21 =	sadd.s32 $0x10, s18  }
0x26: {  	[tilespmem:s4], [sflag:$0x2] =	stream.linear.gather [hbm4b:s19+s4], $0x80, $0x38;
	[tilespmem:$0x17D00] =	vst v63  }
0x27: {  	p0 =	sne.s32 s18, $0x4F0;
	_ =	swait.ge [sflag:s12], $0x80  }
0x28: {  	[sflag:s12] =	ssyncset.done $0x0  }
0x29: {  	s18 =	sadd.s32 s17, s9;
	s17 =	smov.u32 s20;
	[sflag:s12] =	ssyncadd.s32 $0xFFFFFF80  }
0x2a: {  	[tilespmem:s13], [sflag:$0x2] =	stream.linear.gather [hbm4b:s18+s4], $0x80, $0x38;
	[tilespmem:$0x17D00] =	vst v63  }
0x2b: {  	_ =	swait.ge [sflag:s12], $0x80  }
0x2c: {  	[sflag:s12] =	ssyncset.done $0x0  }
0x2d: {  	[sflag:s12] =	ssyncadd.s32 $0xFFFFFF80  }
0x2e: {  	[tilespmem:s14], [sflag:$0x1] =	stream.indirect.gather [hbm4b:s2+s13], $0x80, s4, s13, $0xb8;
	[tilespmem:$0x17D00] =	vst v63  }
0x2f: {  	_ =	swait.ge [sflag:s15], $0x4000  }
.Ltmp0:
0x30: {  	[sflag:s15] =	ssyncset.done $0x0;
	(pc) =	sbr.rel @p0 .LBB2_2-.Ltmp0, $4  }
0x31: {  	[sflag:s15] =	ssyncadd.s32 $0xFFFFC000  }
0x32: {  	[spmem:s3] =	stream.indirect.scatter.add.f32 [tilespmem:s14], [sflag:$0x2], $0x80, s13, s13, $0xb8;
	[tilespmem:$0x17D00] =	vst v63  }
0x33: {  	_ =	swait.ge [sflag:s12], $0x4000  }
0x34: {  	s18 =	smov.u32 s21;
	[sflag:s12] =	ssyncset.done $0x0  }
0x35: {  	s18 =	sadd.s32 s17, s10;
	[sflag:s12] =	ssyncadd.s32 $0xFFFFC000  }
0x36: {  	[tilespmem:s4], [sflag:$0x2] =	stream.linear.gather [hbm4b:s18+s4], $0x80, $0x38;
	[tilespmem:$0x17D00] =	vst v63  }
0x37: {  	_ =	swait.ge [sflag:s12], $0x80  }
0x38: {  	[sflag:s12] =	ssyncset.done $0x0  }
0x39: {  	s31 =	sadd.s32 s17, s9;
	[sflag:s12] =	ssyncadd.s32 $0xFFFFFF80  }
0x3a: {  	[tilespmem:s13], [sflag:$0x2] =	stream.linear.gather [hbm4b:s31+s4], $0x80, $0x38;
	[tilespmem:$0x17D00] =	vst v63  }
0x3b: {  	_ =	swait.ge [sflag:s12], $0x80  }
0x3c: {  	[sflag:s12] =	ssyncset.done $0x0  }
0x3d: {  	[sflag:s12] =	ssyncadd.s32 $0xFFFFFF80  }
0x3e: {  	[tilespmem:s14], [sflag:$0x1] =	stream.indirect.gather [hbm4b:s2+s13], $0x80, s4, s13, $0xb8;
	[tilespmem:$0x17D00] =	vst v63  }
0x3f: {  	_ =	swait.ge [sflag:s15], $0x4000  }
0x40: {  	[sflag:s15] =	ssyncset.done $0x0  }
0x41: {  	[sflag:s15] =	ssyncadd.s32 $0xFFFFC000  }
0x42: {  	[spmem:s3] =	stream.indirect.scatter.add.f32 [tilespmem:s14], [sflag:$0x2], $0x80, s13, s13, $0xb8;
	[tilespmem:$0x17D00] =	vst v63  }
0x43: {  	_ =	swait.ge [sflag:s12], $0x4000  }
0x44: {  	s16 =	sadd.s32 $0x1, s16;
	[sflag:s12] =	ssyncset.done $0x0  }
0x45: {  	p0 =	sne.s32 s16, s8;
	[sflag:s12] =	ssyncadd.s32 $0xFFFFC000  }
.Ltmp1:
0x46: {  	[bflag:$0x0] =	sbarrier.arrive $0xFFFF;
	(pc) =	sbr.rel @p0 .LBB2_1-.Ltmp1, $4  }
0x47: {  	[hbm:s7], [sflag:s6] =	dma.local [spmem:s11], $0x2780  }
0x48: {  	_ =	swait.ge [sflag:s12], $0x2780  }
0x49: {  	[sflag:s12] =	ssyncset.done $0x0  }
0x4a: {  	[sflag:s12] =	ssyncadd.s32 $0xFFFFD880  }
0x4b: {  	_ =	sfence.sel $0x180000  }
0x4c: {  	[bflag:$0x0] =	sbarrier.arrive $0xFFFF  }
0x4d: {  	p0 =	sne.s32 s1, $0x0;
	_ =	strace $0x9000004A  }
0x4e: {  	s0 =	sadd.s32 @!p0 $0x100000, s0;
	[bflag:$0x2] =	sbarrier.arrive $0xFFFF  }
0x4f: {  	[sflag:s0] =	ssyncadd.tile.s32 @!p0 $0x1;
	_ =	shalt  }
.Lfunc_end2:
_tile_overlayer_lowered:
.L_overlay_start_2:
0x50: {  	(tag) =	ssettag $0x2  }
0x51: {  	s0 =	rddreg [dreg:$0x0];
	s2 =	stileid.u32  }
0x52: {  	s1 =	rddreg [dreg:$0x1];
	p0 =	sne.s32 s2, $0x0  }
0x53: {  	s3 =	rddreg [dreg:$0x2];
	[bflag:$0x3] =	sbarrier.arrive $0xFFFF;
	s2 =	simm.s32 @!p0 $0x1C02  }
0x54: {  	[timem:s3], [sflag:s2] =	dma.local @!p0 [hbm:s0], s1  }
0x55: {  	s0 =	simm.s32 @!p0 $0x2  }
0x56: {  	_ =	swait.ge @!p0 [sflag:s0], s1  }
0x57: {  	s1 =	ssub.s32 @!p0 $0x0, s1;
	[sflag:s0] =	ssyncset.done @!p0 $0x0  }
0x58: {  	[sflag:s0] =	ssyncadd.s32 @!p0 s1  }
0x59: {  	[bflag:$0x3] =	sbarrier.arrive $0xFFFF  }
0x5a: {  	_ =	shalt  }

// kernel: kernel.15.cloned.1.call-start
scs
__scs_entry_jumppad:
0x0: {  	(pc) =	sbr.rel $0x88, $3  }
0x1: {  	(tag) =	ssettag $0x0;
	lr =	simm.s32 $0x1  }
0x2: {  	[smem:$0x3F9B] =	sst lr;
	_ =	strace $0xD0000000  }
0x3: {  	_ = 	snop  }
0x4: {  	_ = 	snop  }
0x5: {  	_ = 	snop  }
0x6: {  	_ = 	snop  }
0x7: {  	_ = 	snop  }
__scs_overlays_trampoline_lowered:
0x8: {  	[smem:$0x3FAA] =	sst s0  }
0x9: {  	[smem:$0x3FAB] =	sst s1  }
0xa: {  	[smem:$0x3FAC] =	sst s2  }
0xb: {  	[smem:$0x3FAD] =	sst s3  }
0xc: {  	[smem:$0x3FAE] =	sst s4  }
0xd: {  	[smem:$0x3FAF] =	sst s5  }
0xe: {  	[smem:$0x3FB0] =	sst s6  }
0xf: {  	[smem:$0x3FB1] =	sst s7  }
0x10: {  	[smem:$0x3FB2] =	sst s8  }
0x11: {  	[smem:$0x3FB3] =	sst s9;
	s0 =	simm.s32 @!p0 $0x0  }
0x12: {  	s1 =	sld [smem:$0x3F99];
	s0 =	simm.s32 @p0 $0x1  }
0x13: {  	[smem:$0x3FB4] =	sst s0;
	s0 =	simm.s32 @!p1 $0x0  }
0x14: {  	s2 =	sld [smem:$0x3F98];
	s0 =	simm.s32 @p1 $0x1  }
0x15: {  	[smem:$0x3FB5] =	sst s0;
	s0 =	simm.s32 @!p2 $0x0  }
0x16: {  	s3 =	sld [smem:$0x3FDB];
	s0 =	simm.s32 @p2 $0x1  }
0x17: {  	s4 =	simm.s32 $0x1BF5;
	[smem:$0x3FB7] =	sst s0  }
0x18: {  	s0 =	sld [smem:$0x3F9A];
	_ =	swait.ge [sflag:s4], $0x0  }
0x19: {  	s7 =	sld [smem:$0x3F9B]  }
0x1a: {  	s8 =	sadd.s32 $0xFFFFE003, lr  }
0x1b: {  	s9 =	sadd.s32 $0xFFFFFEF7, lr;
	s5 =	simm.s32 $0xFFFFFFFF;
	p2 =	slt.u32 s8, $0xFFFFF086  }
0x1c: {  	p1 =	slt.u32 s9, $0xF7A;
	s5 =	simm.s32 @!p2 $0x0  }
0x1d: {  	s5 =	simm.s32 @p1 $0x1;
	p0 =	seq.s32 s7, s2  }
0x1e: {  	s7 =	smul.u32 @!p0 $0xF7A, s2;
	p2 =	seq.s32 @!p0 s5, $0x0  }
0x1f: {  	s9 =	smul.u32 $0xF7A, s1;
	s8 =	simm.s32 @!p0 $0x1BF5;
	p2 =	por !p2, p0  }
0x20: {  	[sflag:s8] =	ssyncset.s32 @!p0 $0xFFFFF086;
	s6 =	sadd.s32 @!p0 s3, s7;
	s7 =	simm.s32 @!p0 $0x108  }
0x21: {  	s3 =	sadd.s32 s3, s9;
	s6 =	sadd.s32 @!p0 $0x88, s6;
	s7 =	simm.s32 @p2 $0x1082  }
0x22: {  	[simem:s7], [sflag:s8] =	dma.local @!p0 [hbm:s6], $0xF7A  }
0x23: {  	s9 =	sor.u32 $0xD0000000, s2;
	s6 =	simm.s32 $0x108;
	_ =	swait.ge @!p0 [sflag:s8], $0x0  }
0x24: {  	s3 =	sadd.s32 $0x88, s3;
	s6 =	simm.s32 @!p1 $0x1082;
	[sflag:s4] =	ssyncset.s32 $0xFFFFF086  }
0x25: {  	[simem:s6], [sflag:s4] =	dma.local [hbm:s3], $0xF7A  }
0x26: {  	[smem:$0x3F9B] =	sst s1;
	(tag) =	ssettag s2;
	_ =	strace s9  }
0x27: {  	s1 =	sld [smem:$0x3FAB]  }
0x28: {  	s2 =	sld [smem:$0x3FAC]  }
0x29: {  	s4 =	sld [smem:$0x3FAE]  }
0x2a: {  	p0 =	seq.s32 s5, $0x0;
	s5 =	sld [smem:$0x3FAF]  }
0x2b: {  	s6 =	sld [smem:$0x3FB0]  }
0x2c: {  	s7 =	sld [smem:$0x3FB1]  }
0x2d: {  	s3 =	simm.s32 $0x108;
	s8 =	sld [smem:$0x3FB2]  }
0x2e: {  	s3 =	simm.s32 @!p0 $0x1082;
	s9 =	sld [smem:$0x3FB3]  }
0x2f: {  	lr =	sadd.s32 s0, s3;
	s0 =	sld [smem:$0x3FAA]  }
0x30: {  	s3 =	sld [smem:$0x3FAD]  }
0x31: {  	[smem:$0x3FB6] =	sst s10  }
0x32: {  	s10 =	sld [smem:$0x3FB4];
	_ =	sdelay $0x3  }
0x33: {  	p0 =	seq.s32 s10, $0x1;
	s10 =	sld [smem:$0x3FB6];
	_ =	sdelay $0x3  }
0x34: {  	[smem:$0x3FB6] =	sst s10  }
0x35: {  	s10 =	sld [smem:$0x3FB5];
	_ =	sdelay $0x3  }
0x36: {  	p1 =	seq.s32 s10, $0x1;
	s10 =	sld [smem:$0x3FB6];
	_ =	sdelay $0x3  }
0x37: {  	[smem:$0x3FB6] =	sst s10  }
0x38: {  	s10 =	sld [smem:$0x3FB7]  }
0x39: {  	_ = 	snop;
	(pc) =	sbr.ind lr, $3  }
0x3a: {  	_ = 	snop  }
0x3b: {  	_ = 	snop  }
0x3c: {  	p2 =	seq.s32 s10, $0x1;
	s10 =	sld [smem:$0x3FB6]  }
0x3d: {  	_ =	shalt  }
0x3e: {  	_ =	shalt  }
0x3f: {  	_ =	shalt  }
0x40: {  	_ =	shalt  }
0x41: {  	_ =	shalt  }
0x42: {  	_ =	shalt  }
0x43: {  	_ =	shalt  }
0x44: {  	_ =	shalt  }
0x45: {  	_ =	shalt  }
0x46: {  	_ =	shalt  }
0x47: {  	_ =	shalt  }
0x48: {  	_ =	shalt  }
0x49: {  	_ =	shalt  }
0x4a: {  	_ =	shalt  }
0x4b: {  	_ =	shalt  }
0x4c: {  	_ =	shalt  }
0x4d: {  	_ =	shalt  }
0x4e: {  	_ =	shalt  }
0x4f: {  	_ =	shalt  }
0x50: {  	_ =	shalt  }
0x51: {  	_ =	shalt  }
0x52: {  	_ =	shalt  }
0x53: {  	_ =	shalt  }
0x54: {  	_ =	shalt  }
0x55: {  	_ =	shalt  }
0x56: {  	_ =	shalt  }
0x57: {  	_ =	shalt  }
0x58: {  	_ =	shalt  }
0x59: {  	_ =	shalt  }
0x5a: {  	_ =	shalt  }
0x5b: {  	_ =	shalt  }
0x5c: {  	_ =	shalt  }
0x5d: {  	_ =	shalt  }
0x5e: {  	_ =	shalt  }
0x5f: {  	_ =	shalt  }
0x60: {  	_ =	shalt  }
0x61: {  	_ =	shalt  }
0x62: {  	_ =	shalt  }
0x63: {  	_ =	shalt  }
0x64: {  	_ =	shalt  }
0x65: {  	_ =	shalt  }
0x66: {  	_ =	shalt  }
0x67: {  	_ =	shalt  }
0x68: {  	_ =	shalt  }
0x69: {  	_ =	shalt  }
0x6a: {  	_ =	shalt  }
0x6b: {  	_ =	shalt  }
0x6c: {  	_ =	shalt  }
0x6d: {  	_ =	shalt  }
0x6e: {  	_ =	shalt  }
0x6f: {  	_ =	shalt  }
0x70: {  	_ =	shalt  }
0x71: {  	_ =	shalt  }
0x72: {  	_ =	shalt  }
0x73: {  	_ =	shalt  }
0x74: {  	_ =	shalt  }
0x75: {  	_ =	shalt  }
0x76: {  	_ =	shalt  }
0x77: {  	_ =	shalt  }
0x78: {  	_ =	shalt  }
0x79: {  	_ =	shalt  }
0x7a: {  	_ =	shalt  }
0x7b: {  	_ =	shalt  }
0x7c: {  	_ =	shalt  }
0x7d: {  	_ =	shalt  }
0x7e: {  	_ =	shalt  }
0x7f: {  	_ =	shalt  }
0x80: {  	_ =	shalt  }
0x81: {  	_ =	shalt  }
0x82: {  	_ =	shalt  }
0x83: {  	_ =	shalt  }
0x84: {  	_ =	shalt  }
0x85: {  	_ =	shalt  }
0x86: {  	_ =	shalt  }
0x87: {  	_ =	shalt  }
.Lfunc_end0:
.L_simem_size_0:
called_computation.2_lowered:
.L_overlay_start_0:
0x88: {  	s2 =	sld [smem:$0x3FD9]  }
0x89: {  	s3 =	sld [smem:$0x3FFE];
	_ =	sdelay $0x1  }
0x8a: {  	s1 =	srdreg.scid  }
0x8b: {  	s0 =	sand.u32 $0x1, s1  }
0x8c: {  	s17 =	sshll.u32 s0, $0xA;
	s2 =	sadd.s32 s3, s2  }
0x8d: {  	s2 =	sadd.s32 s2, s17  }
0x8e: {  	[smem:$0x3FC2] =	sst s2  }
0x8f: {  	_ = 	snop  }
0x90: {  	s2 =	sld [smem:$0x3FD0];
	(tm) =	ssettm $0x1  }
0x91: {  	s18 =	sld [smem:$0x3FFB];
	_ =	sdelay $0x3  }
0x92: {  	_ =	strace s18  }
0x93: {  	s3 =	sld [smem:$0x3FFC];
	_ =	sdelay $0x3  }
0x94: {  	_ =	strace s3  }
0x95: {  	s3 =	sld [smem:$0x3FFD];
	_ =	sdelay $0x3  }
0x96: {  	_ =	strace s3  }
0x97: {  	_ =	strace $0x8FFFFFFF  }
0x98: {  	s19 =	sld [smem:$0x3FDB];
	_ =	sdelay $0x1  }
0x99: {  	s4 =	simm.s32 $_scs_section_size  }
0x9a: {  	s5 =	simm.s32 $_size__tile_overlayer_lowered;
	s6 =	simm.s32 $_tile_overlayer_lowered  }
0x9b: {  	s22 =	simm.s32 $0x1BFF;
	s21 =	sshll.u32 s6, $0x1;
	s3 =	sadd.s32 s4, s19  }
0x9c: {  	s7 =	simm.s32 $0x0;
	s20 =	sshll.u32 s5, $0x1;
	s5 =	sadd.s32 s21, s3  }
0x9d: {  	[timem:s7], [sflag:s22] =	dma.local [hbm:s5], s20  }
0x9e: {  	_ =	swait.ge [sflag:s22], s20  }
0x9f: {  	s4 =	ssub.s32 $0x0, s20;
	[sflag:s22] =	ssyncset.done $0x0  }
0xa0: {  	[sflag:s22] =	ssyncadd.s32 s4;
	_ =	sdelay $0x1  }
0xa1: {  	s23 =	simm.s32 $0x1B8B  }
0xa2: {  	_ =	swait.ge [sflag:s23], $0x1  }
0xa3: {  	[sflag:s23] =	ssyncset.done $0x0  }
0xa4: {  	s25 =	simm.s32 $0x1B8E;
	s24 =	sld [smem:$0x3FFE];
	[sflag:s23] =	ssyncadd.s32 $0xFFFFFFFF  }
0xa5: {  	s26 =	simm.s32 $execute0_lowered;
	[smem:$0x3FD2] =	sst s25  }
0xa6: {  	s5 =	sshll.u32 s26, $0x1;
	_ =	strace $0x8000004C;
	[dreg:$0x1] =	wrdreg $0xFFFFFFFF  }
0xa7: {  	s28 =	simm.s32 $_size_execute0_lowered;
	s3 =	sadd.s32 s3, s5;
	[dreg:$0x0] =	wrdreg $0x0  }
0xa8: {  	s5 =	sshll.u32 s28, $0x1;
	[dreg:$0x2] =	wrdreg s3  }
0xa9: {  	[dreg:$0x3] =	wrdreg s5  }
0xaa: {  	[dreg:$0x4] =	wrdreg $0xC0  }
0xab: {  	_ =	task [dreg:s7], $0x5FFFF  }
0xac: {  	[dreg:$0x1] =	wrdreg $0xFFFFFFFF  }
0xad: {  	[dreg:$0x0] =	wrdreg $0x60  }
0xae: {  	[dreg:$0x2] =	wrdreg s24  }
0xaf: {  	[dreg:$0x3] =	wrdreg s2  }
0xb0: {  	[dreg:$0x4] =	wrdreg $0x41000  }
0xb1: {  	[dreg:$0x5] =	wrdreg $0x9  }
0xb2: {  	_ =	task.clear_ibuf [dreg:s7], $0x6FFFF;
	_ =	strace $0x9000004C  }
0xb3: {  	s29 =	simm.s32 $0x9;
	_ =	strace $0x8000004E  }
0xb4: {  	_ =	swait.ge [sflag:s29], $0x1  }
0xb5: {  	[sflag:s29] =	ssyncadd.s32 $0xFFFFFFFF  }
0xb6: {  	_ =	strace $0x9000004E  }
0xb7: {  	_ =	sfence  }
0xb8: {  	s30 =	sld [smem:$0x0];
	_ =	sdelay $0x2  }
0xb9: {  	s31 =	sshll.u32 s1, $0xD;
	s1 =	sshrl.u32 s1, $0x2  }
0xba: {  	s3 =	sand.u32 $0x4000, s31;
	s1 =	sadd.s32 s1, s30  }
0xbb: {  	s0 =	sor.u32 s3, s0;
	s1 =	sshll.u32 s1, $0x11  }
0xbc: {  	s0 =	sor.u32 s1, s0  }
0xbd: {  	s0 =	sadd.s32 $0x8F2B, s0  }
0xbe: {  	[sflag:s0] =	ssyncadd.remote.s32 $0x1  }
0xbf: {  	_ =	sfence.sel $0xFFFF  }
0xc0: {  	[dreg:$0x0] =	wrdreg $0xFFFFFFFF;
	(pc) =	sbr.abs _section_cstart, $3  }
0xc1: {  	[dreg:$0x1] =	wrdreg $0xFFFFFFFF  }
0xc2: {  	_ =	task.clear_ibuf [dreg:s7], $0x2FFFF;
	_ =	strace $0x9FFFFFFF  }
0xc3: {  	(tm) =	ssettm $0x7FFFFFFF  }
tec
execute0_lowered:
.L_overlay_start_1:
0x0: {  	(tag) =	ssettag $0x1  }
0x1: {  	s5 =	rddreg [dreg:$0x0]  }
0x2: {  	s2 =	rddreg [dreg:$0x1]  }
0x3: {  	s3 =	rddreg [dreg:$0x2]  }
0x4: {  	s0 =	rddreg [dreg:$0x3];
	s1 =	stileid.u32  }
0x5: {  	s7 =	srdreg.scid;
	s4 =	simm.s32 $0x0;
	s6 =	smul.u32 $0xA00, s1  }
0x6: {  	s14 =	simm.s32 $0x100;
	s15 =	simm.s32 $0x1;
	s8 =	smul.u32 $0x2780, s1  }
0x7: {  	s16 =	simm.s32 $0x0;
	s7 =	sand.u32 $0x1, s7;
	s11 =	smul.u32 $0x4F000, s1  }
0x8: {  	[smem:$0x7FF] =	sst s4;
	s31 =	sshll.u32 s1, $0x6;
	s9 =	smul.u32 $0x27800, s7  }
0x9: {  	_ =	strace $0x8000004D;
	s26 =	ssub.s32 $0x2, s7;
	s30 =	smul.u32 $0x500, s7  }
0xa: {  	s10 =	sadd.s32 s6, s5;
	s28 =	sshrl.u32 s26, $0x1;
	s29 =	sshrl.u32 s11, $0x2  }
0xb: {  	s6 =	sor.u32 $0x1C02, s31;
	s25 =	sadd.s32 s8, s9;
	s8 =	sadd.s32 s8, s5  }
0xc: {  	s9 =	ssub.s32 s26, s28;
	s13 =	sadd.s32 s29, s3;
	s10 =	sadd.s32 s30, s10  }
0xd: {  	s12 =	sadd.s32 s25, s5;
	s5 =	sadd.s32 $0x3F600, s8;
	s8 =	smax.u32 s9, $0x1  }
0xe: {  	s9 =	sadd.s32 $0x3600, s10;
	s10 =	sadd.s32 $0xE200, s10;
	s11 =	sshrl.u32 s13, $0x3  }
0xf: {  	s13 =	simm.s32 $0x80;
	s7 =	sadd.s32 $0x66E00, s12;
	s12 =	simm.s32 $0x2  }
.LBB2_1:
0x10: {  	[spmem:s11], [sflag:s6] =	dma.local [hbm:s5], $0x2780  }
0x11: {  	_ =	swait.ge [sflag:s12], $0x2780  }
0x12: {  	[sflag:s12] =	ssyncset.done $0x0  }
0x13: {  	[sflag:s12] =	ssyncadd.s32 $0xFFFFD880  }
0x14: {  	s17 =	sadd.s32 $0x0, s10;
	[bflag:$0x0] =	sbarrier.arrive $0xFFFF  }
0x15: {  	[tilespmem:s4], [sflag:$0x2] =	stream.linear.gather [hbm4b:s17+s4], $0x80, $0x38;
	[tilespmem:$0x17D00] =	vst v63  }
0x16: {  	_ =	swait.ge [sflag:s12], $0x80  }
0x17: {  	[sflag:s12] =	ssyncset.done $0x0  }
0x18: {  	s31 =	sadd.s32 $0x0, s9;
	[sflag:s12] =	ssyncadd.s32 $0xFFFFFF80  }
0x19: {  	[tilespmem:s13], [sflag:$0x2] =	stream.linear.gather [hbm4b:s31+s4], $0x80, $0x38;
	[tilespmem:$0x17D00] =	vst v63  }
0x1a: {  	_ =	swait.ge [sflag:s12], $0x80  }
0x1b: {  	[sflag:s12] =	ssyncset.done $0x0  }
0x1c: {  	[sflag:s12] =	ssyncadd.s32 $0xFFFFFF80  }
0x1d: {  	[tilespmem:s14], [sflag:$0x1] =	stream.indirect.gather [hbm4b:s2+s13], $0x80, s4, s13, $0xb8;
	[tilespmem:$0x17D00] =	vst v63  }
0x1e: {  	_ =	swait.ge [sflag:s15], $0x4000  }
0x1f: {  	[sflag:s15] =	ssyncset.done $0x0  }
0x20: {  	[sflag:s15] =	ssyncadd.s32 $0xFFFFC000  }
0x21: {  	[spmem:s3] =	stream.indirect.scatter.add.f32 [tilespmem:s14], [sflag:$0x2], $0x80, s13, s13, $0xb8;
	[tilespmem:$0x17D00] =	vst v63  }
0x22: {  	_ =	swait.ge [sflag:s12], $0x4000  }
0x23: {  	s18 =	simm.s32 $0x20;
	s17 =	simm.s32 $0x10;
	[sflag:s12] =	ssyncset.done $0x0  }
.LBB2_2:
0x24: {  	s19 =	sadd.s32 s17, s10  }
0x25: {  	[sflag:s12] =	ssyncadd.s32 $0xFFFFC000;
	s20 =	smov.u32 s18;
	s21 =	sadd.s32 $0x10, s18  }
0x26: {  	[tilespmem:s4], [sflag:$0x2] =	stream.linear.gather [hbm4b:s19+s4], $0x80, $0x38;
	[tilespmem:$0x17D00] =	vst v63  }
0x27: {  	p0 =	sne.s32 s18, $0x4F0;
	_ =	swait.ge [sflag:s12], $0x80  }
0x28: {  	[sflag:s12] =	ssyncset.done $0x0  }
0x29: {  	s18 =	sadd.s32 s17, s9;
	s17 =	smov.u32 s20;
	[sflag:s12] =	ssyncadd.s32 $0xFFFFFF80  }
0x2a: {  	[tilespmem:s13], [sflag:$0x2] =	stream.linear.gather [hbm4b:s18+s4], $0x80, $0x38;
	[tilespmem:$0x17D00] =	vst v63  }
0x2b: {  	_ =	swait.ge [sflag:s12], $0x80  }
0x2c: {  	[sflag:s12] =	ssyncset.done $0x0  }
0x2d: {  	[sflag:s12] =	ssyncadd.s32 $0xFFFFFF80  }
0x2e: {  	[tilespmem:s14], [sflag:$0x1] =	stream.indirect.gather [hbm4b:s2+s13], $0x80, s4, s13, $0xb8;
	[tilespmem:$0x17D00] =	vst v63  }
0x2f: {  	_ =	swait.ge [sflag:s15], $0x4000  }
.Ltmp0:
0x30: {  	[sflag:s15] =	ssyncset.done $0x0;
	(pc) =	sbr.rel @p0 .LBB2_2-.Ltmp0, $4  }
0x31: {  	[sflag:s15] =	ssyncadd.s32 $0xFFFFC000  }
0x32: {  	[spmem:s3] =	stream.indirect.scatter.add.f32 [tilespmem:s14], [sflag:$0x2], $0x80, s13, s13, $0xb8;
	[tilespmem:$0x17D00] =	vst v63  }
0x33: {  	_ =	swait.ge [sflag:s12], $0x4000  }
0x34: {  	s18 =	smov.u32 s21;
	[sflag:s12] =	ssyncset.done $0x0  }
0x35: {  	s18 =	sadd.s32 s17, s10;
	[sflag:s12] =	ssyncadd.s32 $0xFFFFC000  }
0x36: {  	[tilespmem:s4], [sflag:$0x2] =	stream.linear.gather [hbm4b:s18+s4], $0x80, $0x38;
	[tilespmem:$0x17D00] =	vst v63  }
0x37: {  	_ =	swait.ge [sflag:s12], $0x80  }
0x38: {  	[sflag:s12] =	ssyncset.done $0x0  }
0x39: {  	s31 =	sadd.s32 s17, s9;
	[sflag:s12] =	ssyncadd.s32 $0xFFFFFF80  }
0x3a: {  	[tilespmem:s13], [sflag:$0x2] =	stream.linear.gather [hbm4b:s31+s4], $0x80, $0x38;
	[tilespmem:$0x17D00] =	vst v63  }
0x3b: {  	_ =	swait.ge [sflag:s12], $0x80  }
0x3c: {  	[sflag:s12] =	ssyncset.done $0x0  }
0x3d: {  	[sflag:s12] =	ssyncadd.s32 $0xFFFFFF80  }
0x3e: {  	[tilespmem:s14], [sflag:$0x1] =	stream.indirect.gather [hbm4b:s2+s13], $0x80, s4, s13, $0xb8;
	[tilespmem:$0x17D00] =	vst v63  }
0x3f: {  	_ =	swait.ge [sflag:s15], $0x4000  }
0x40: {  	[sflag:s15] =	ssyncset.done $0x0  }
0x41: {  	[sflag:s15] =	ssyncadd.s32 $0xFFFFC000  }
0x42: {  	[spmem:s3] =	stream.indirect.scatter.add.f32 [tilespmem:s14], [sflag:$0x2], $0x80, s13, s13, $0xb8;
	[tilespmem:$0x17D00] =	vst v63  }
0x43: {  	_ =	swait.ge [sflag:s12], $0x4000  }
0x44: {  	s16 =	sadd.s32 $0x1, s16;
	[sflag:s12] =	ssyncset.done $0x0  }
0x45: {  	p0 =	sne.s32 s16, s8;
	[sflag:s12] =	ssyncadd.s32 $0xFFFFC000  }
.Ltmp1:
0x46: {  	[bflag:$0x0] =	sbarrier.arrive $0xFFFF;
	(pc) =	sbr.rel @p0 .LBB2_1-.Ltmp1, $4  }
0x47: {  	[hbm:s7], [sflag:s6] =	dma.local [spmem:s11], $0x2780  }
0x48: {  	_ =	swait.ge [sflag:s12], $0x2780  }
0x49: {  	[sflag:s12] =	ssyncset.done $0x0  }
0x4a: {  	[sflag:s12] =	ssyncadd.s32 $0xFFFFD880  }
0x4b: {  	_ =	sfence.sel $0x180000  }
0x4c: {  	[bflag:$0x0] =	sbarrier.arrive $0xFFFF  }
0x4d: {  	p0 =	sne.s32 s1, $0x0;
	_ =	strace $0x9000004D  }
0x4e: {  	s0 =	sadd.s32 @!p0 $0x100000, s0;
	[bflag:$0x2] =	sbarrier.arrive $0xFFFF  }
0x4f: {  	[sflag:s0] =	ssyncadd.tile.s32 @!p0 $0x1;
	_ =	shalt  }
.Lfunc_end2:
_tile_overlayer_lowered:
.L_overlay_start_2:
0x50: {  	(tag) =	ssettag $0x2  }
0x51: {  	s0 =	rddreg [dreg:$0x0];
	s2 =	stileid.u32  }
0x52: {  	s1 =	rddreg [dreg:$0x1];
	p0 =	sne.s32 s2, $0x0  }
0x53: {  	s3 =	rddreg [dreg:$0x2];
	[bflag:$0x3] =	sbarrier.arrive $0xFFFF;
	s2 =	simm.s32 @!p0 $0x1C02  }
0x54: {  	[timem:s3], [sflag:s2] =	dma.local @!p0 [hbm:s0], s1  }
0x55: {  	s0 =	simm.s32 @!p0 $0x2  }
0x56: {  	_ =	swait.ge @!p0 [sflag:s0], s1  }
0x57: {  	s1 =	ssub.s32 @!p0 $0x0, s1;
	[sflag:s0] =	ssyncset.done @!p0 $0x0  }
0x58: {  	[sflag:s0] =	ssyncadd.s32 @!p0 s1  }
0x59: {  	[bflag:$0x3] =	sbarrier.arrive $0xFFFF  }
0x5a: {  	_ =	shalt  }

// kernel: kernel.9.cloned.1.call-start
scs
__scs_entry_jumppad:
0x0: {  	(pc) =	sbr.rel $0x88, $3  }
0x1: {  	(tag) =	ssettag $0x0;
	lr =	simm.s32 $0x1  }
0x2: {  	[smem:$0x3F9B] =	sst lr;
	_ =	strace $0xD0000000  }
0x3: {  	_ = 	snop  }
0x4: {  	_ = 	snop  }
0x5: {  	_ = 	snop  }
0x6: {  	_ = 	snop  }
0x7: {  	_ = 	snop  }
__scs_overlays_trampoline_lowered:
0x8: {  	[smem:$0x3FAA] =	sst s0  }
0x9: {  	[smem:$0x3FAB] =	sst s1  }
0xa: {  	[smem:$0x3FAC] =	sst s2  }
0xb: {  	[smem:$0x3FAD] =	sst s3  }
0xc: {  	[smem:$0x3FAE] =	sst s4  }
0xd: {  	[smem:$0x3FAF] =	sst s5  }
0xe: {  	[smem:$0x3FB0] =	sst s6  }
0xf: {  	[smem:$0x3FB1] =	sst s7  }
0x10: {  	[smem:$0x3FB2] =	sst s8  }
0x11: {  	[smem:$0x3FB3] =	sst s9;
	s0 =	simm.s32 @!p0 $0x0  }
0x12: {  	s1 =	sld [smem:$0x3F99];
	s0 =	simm.s32 @p0 $0x1  }
0x13: {  	[smem:$0x3FB4] =	sst s0;
	s0 =	simm.s32 @!p1 $0x0  }
0x14: {  	s2 =	sld [smem:$0x3F98];
	s0 =	simm.s32 @p1 $0x1  }
0x15: {  	[smem:$0x3FB5] =	sst s0;
	s0 =	simm.s32 @!p2 $0x0  }
0x16: {  	s3 =	sld [smem:$0x3FDB];
	s0 =	simm.s32 @p2 $0x1  }
0x17: {  	s4 =	simm.s32 $0x1BF5;
	[smem:$0x3FB7] =	sst s0  }
0x18: {  	s0 =	sld [smem:$0x3F9A];
	_ =	swait.ge [sflag:s4], $0x0  }
0x19: {  	s7 =	sld [smem:$0x3F9B]  }
0x1a: {  	s8 =	sadd.s32 $0xFFFFE003, lr  }
0x1b: {  	s9 =	sadd.s32 $0xFFFFFEF7, lr;
	s5 =	simm.s32 $0xFFFFFFFF;
	p2 =	slt.u32 s8, $0xFFFFF086  }
0x1c: {  	p1 =	slt.u32 s9, $0xF7A;
	s5 =	simm.s32 @!p2 $0x0  }
0x1d: {  	s5 =	simm.s32 @p1 $0x1;
	p0 =	seq.s32 s7, s2  }
0x1e: {  	s7 =	smul.u32 @!p0 $0xF7A, s2;
	p2 =	seq.s32 @!p0 s5, $0x0  }
0x1f: {  	s9 =	smul.u32 $0xF7A, s1;
	s8 =	simm.s32 @!p0 $0x1BF5;
	p2 =	por !p2, p0  }
0x20: {  	[sflag:s8] =	ssyncset.s32 @!p0 $0xFFFFF086;
	s6 =	sadd.s32 @!p0 s3, s7;
	s7 =	simm.s32 @!p0 $0x108  }
0x21: {  	s3 =	sadd.s32 s3, s9;
	s6 =	sadd.s32 @!p0 $0x88, s6;
	s7 =	simm.s32 @p2 $0x1082  }
0x22: {  	[simem:s7], [sflag:s8] =	dma.local @!p0 [hbm:s6], $0xF7A  }
0x23: {  	s9 =	sor.u32 $0xD0000000, s2;
	s6 =	simm.s32 $0x108;
	_ =	swait.ge @!p0 [sflag:s8], $0x0  }
0x24: {  	s3 =	sadd.s32 $0x88, s3;
	s6 =	simm.s32 @!p1 $0x1082;
	[sflag:s4] =	ssyncset.s32 $0xFFFFF086  }
0x25: {  	[simem:s6], [sflag:s4] =	dma.local [hbm:s3], $0xF7A  }
0x26: {  	[smem:$0x3F9B] =	sst s1;
	(tag) =	ssettag s2;
	_ =	strace s9  }
0x27: {  	s1 =	sld [smem:$0x3FAB]  }
0x28: {  	s2 =	sld [smem:$0x3FAC]  }
0x29: {  	s4 =	sld [smem:$0x3FAE]  }
0x2a: {  	p0 =	seq.s32 s5, $0x0;
	s5 =	sld [smem:$0x3FAF]  }
0x2b: {  	s6 =	sld [smem:$0x3FB0]  }
0x2c: {  	s7 =	sld [smem:$0x3FB1]  }
0x2d: {  	s3 =	simm.s32 $0x108;
	s8 =	sld [smem:$0x3FB2]  }
0x2e: {  	s3 =	simm.s32 @!p0 $0x1082;
	s9 =	sld [smem:$0x3FB3]  }
0x2f: {  	lr =	sadd.s32 s0, s3;
	s0 =	sld [smem:$0x3FAA]  }
0x30: {  	s3 =	sld [smem:$0x3FAD]  }
0x31: {  	[smem:$0x3FB6] =	sst s10  }
0x32: {  	s10 =	sld [smem:$0x3FB4];
	_ =	sdelay $0x3  }
0x33: {  	p0 =	seq.s32 s10, $0x1;
	s10 =	sld [smem:$0x3FB6];
	_ =	sdelay $0x3  }
0x34: {  	[smem:$0x3FB6] =	sst s10  }
0x35: {  	s10 =	sld [smem:$0x3FB5];
	_ =	sdelay $0x3  }
0x36: {  	p1 =	seq.s32 s10, $0x1;
	s10 =	sld [smem:$0x3FB6];
	_ =	sdelay $0x3  }
0x37: {  	[smem:$0x3FB6] =	sst s10  }
0x38: {  	s10 =	sld [smem:$0x3FB7]  }
0x39: {  	_ = 	snop;
	(pc) =	sbr.ind lr, $3  }
0x3a: {  	_ = 	snop  }
0x3b: {  	_ = 	snop  }
0x3c: {  	p2 =	seq.s32 s10, $0x1;
	s10 =	sld [smem:$0x3FB6]  }
0x3d: {  	_ =	shalt  }
0x3e: {  	_ =	shalt  }
0x3f: {  	_ =	shalt  }
0x40: {  	_ =	shalt  }
0x41: {  	_ =	shalt  }
0x42: {  	_ =	shalt  }
0x43: {  	_ =	shalt  }
0x44: {  	_ =	shalt  }
0x45: {  	_ =	shalt  }
0x46: {  	_ =	shalt  }
0x47: {  	_ =	shalt  }
0x48: {  	_ =	shalt  }
0x49: {  	_ =	shalt  }
0x4a: {  	_ =	shalt  }
0x4b: {  	_ =	shalt  }
0x4c: {  	_ =	shalt  }
0x4d: {  	_ =	shalt  }
0x4e: {  	_ =	shalt  }
0x4f: {  	_ =	shalt  }
0x50: {  	_ =	shalt  }
0x51: {  	_ =	shalt  }
0x52: {  	_ =	shalt  }
0x53: {  	_ =	shalt  }
0x54: {  	_ =	shalt  }
0x55: {  	_ =	shalt  }
0x56: {  	_ =	shalt  }
0x57: {  	_ =	shalt  }
0x58: {  	_ =	shalt  }
0x59: {  	_ =	shalt  }
0x5a: {  	_ =	shalt  }
0x5b: {  	_ =	shalt  }
0x5c: {  	_ =	shalt  }
0x5d: {  	_ =	shalt  }
0x5e: {  	_ =	shalt  }
0x5f: {  	_ =	shalt  }
0x60: {  	_ =	shalt  }
0x61: {  	_ =	shalt  }
0x62: {  	_ =	shalt  }
0x63: {  	_ =	shalt  }
0x64: {  	_ =	shalt  }
0x65: {  	_ =	shalt  }
0x66: {  	_ =	shalt  }
0x67: {  	_ =	shalt  }
0x68: {  	_ =	shalt  }
0x69: {  	_ =	shalt  }
0x6a: {  	_ =	shalt  }
0x6b: {  	_ =	shalt  }
0x6c: {  	_ =	shalt  }
0x6d: {  	_ =	shalt  }
0x6e: {  	_ =	shalt  }
0x6f: {  	_ =	shalt  }
0x70: {  	_ =	shalt  }
0x71: {  	_ =	shalt  }
0x72: {  	_ =	shalt  }
0x73: {  	_ =	shalt  }
0x74: {  	_ =	shalt  }
0x75: {  	_ =	shalt  }
0x76: {  	_ =	shalt  }
0x77: {  	_ =	shalt  }
0x78: {  	_ =	shalt  }
0x79: {  	_ =	shalt  }
0x7a: {  	_ =	shalt  }
0x7b: {  	_ =	shalt  }
0x7c: {  	_ =	shalt  }
0x7d: {  	_ =	shalt  }
0x7e: {  	_ =	shalt  }
0x7f: {  	_ =	shalt  }
0x80: {  	_ =	shalt  }
0x81: {  	_ =	shalt  }
0x82: {  	_ =	shalt  }
0x83: {  	_ =	shalt  }
0x84: {  	_ =	shalt  }
0x85: {  	_ =	shalt  }
0x86: {  	_ =	shalt  }
0x87: {  	_ =	shalt  }
.Lfunc_end0:
.L_simem_size_0:
called_computation_lowered:
.L_overlay_start_0:
0x88: {  	s2 =	sld [smem:$0x3FD9]  }
0x89: {  	s3 =	sld [smem:$0x3FFE];
	_ =	sdelay $0x1  }
0x8a: {  	s1 =	srdreg.scid  }
0x8b: {  	s0 =	sand.u32 $0x1, s1  }
0x8c: {  	s16 =	sshll.u32 s0, $0xA;
	s2 =	sadd.s32 s3, s2  }
0x8d: {  	s2 =	sadd.s32 s2, s16  }
0x8e: {  	[smem:$0x3FC2] =	sst s2  }
0x8f: {  	_ = 	snop  }
0x90: {  	(tm) =	ssettm $0x1  }
0x91: {  	s17 =	sld [smem:$0x3FFB];
	_ =	sdelay $0x3  }
0x92: {  	_ =	strace s17  }
0x93: {  	s2 =	sld [smem:$0x3FFC];
	_ =	sdelay $0x3  }
0x94: {  	_ =	strace s2  }
0x95: {  	s2 =	sld [smem:$0x3FFD];
	_ =	sdelay $0x3  }
0x96: {  	_ =	strace s2  }
0x97: {  	_ =	strace $0x8FFFFFFF  }
0x98: {  	s18 =	sld [smem:$0x3FDB];
	_ =	sdelay $0x1  }
0x99: {  	s19 =	simm.s32 $_scs_section_size  }
0x9a: {  	s4 =	simm.s32 $_size__tile_overlayer_lowered;
	s5 =	simm.s32 $_tile_overlayer_lowered  }
0x9b: {  	s22 =	simm.s32 $0x1BFF;
	s21 =	sshll.u32 s5, $0x1;
	s2 =	sadd.s32 s19, s18  }
0x9c: {  	s6 =	simm.s32 $0x0;
	s20 =	sshll.u32 s4, $0x1;
	s4 =	sadd.s32 s21, s2  }
0x9d: {  	[timem:s6], [sflag:s22] =	dma.local [hbm:s4], s20  }
0x9e: {  	_ =	swait.ge [sflag:s22], s20  }
0x9f: {  	s3 =	ssub.s32 $0x0, s20;
	[sflag:s22] =	ssyncset.done $0x0  }
0xa0: {  	[sflag:s22] =	ssyncadd.s32 s3;
	_ =	sdelay $0x1  }
0xa1: {  	s23 =	simm.s32 $0x1B8B  }
0xa2: {  	_ =	swait.ge [sflag:s23], $0x1  }
0xa3: {  	[sflag:s23] =	ssyncset.done $0x0  }
0xa4: {  	s25 =	simm.s32 $0x1B8E;
	s24 =	sld [smem:$0x3FFE];
	[sflag:s23] =	ssyncadd.s32 $0xFFFFFFFF  }
0xa5: {  	s26 =	simm.s32 $execute0_lowered;
	[smem:$0x3FD2] =	sst s25  }
0xa6: {  	s4 =	sshll.u32 s26, $0x1;
	_ =	strace $0x80000046;
	[dreg:$0x1] =	wrdreg $0xFFFFFFFF  }
0xa7: {  	s28 =	simm.s32 $_size_execute0_lowered;
	s2 =	sadd.s32 s2, s4;
	[dreg:$0x0] =	wrdreg $0x0  }
0xa8: {  	s4 =	sshll.u32 s28, $0x1;
	[dreg:$0x2] =	wrdreg s2  }
0xa9: {  	[dreg:$0x3] =	wrdreg s4  }
0xaa: {  	[dreg:$0x4] =	wrdreg $0xC0  }
0xab: {  	_ =	task [dreg:s6], $0x5FFFF  }
0xac: {  	[dreg:$0x1] =	wrdreg $0xFFFFFFFF  }
0xad: {  	[dreg:$0x0] =	wrdreg $0x60  }
0xae: {  	[dreg:$0x2] =	wrdreg s24  }
0xaf: {  	[dreg:$0x3] =	wrdreg $0x1800  }
0xb0: {  	[dreg:$0x4] =	wrdreg $0x9  }
0xb1: {  	_ =	task.clear_ibuf [dreg:s6], $0x5FFFF;
	_ =	strace $0x90000046  }
0xb2: {  	s29 =	simm.s32 $0x9;
	_ =	strace $0x80000048  }
0xb3: {  	_ =	swait.ge [sflag:s29], $0x1  }
0xb4: {  	[sflag:s29] =	ssyncadd.s32 $0xFFFFFFFF  }
0xb5: {  	_ =	strace $0x90000048  }
0xb6: {  	_ =	sfence  }
0xb7: {  	s30 =	sld [smem:$0x0];
	_ =	sdelay $0x2  }
0xb8: {  	s31 =	sshll.u32 s1, $0xD;
	s1 =	sshrl.u32 s1, $0x2  }
0xb9: {  	s3 =	sand.u32 $0x4000, s31;
	s1 =	sadd.s32 s1, s30  }
0xba: {  	s0 =	sor.u32 s3, s0;
	s1 =	sshll.u32 s1, $0x11  }
0xbb: {  	s0 =	sor.u32 s1, s0  }
0xbc: {  	s0 =	sadd.s32 $0x8F2B, s0  }
0xbd: {  	[sflag:s0] =	ssyncadd.remote.s32 $0x1  }
0xbe: {  	_ =	sfence.sel $0xFFFF  }
0xbf: {  	[dreg:$0x0] =	wrdreg $0xFFFFFFFF;
	(pc) =	sbr.abs _section_cstart, $3  }
0xc0: {  	[dreg:$0x1] =	wrdreg $0xFFFFFFFF  }
0xc1: {  	_ =	task.clear_ibuf [dreg:s6], $0x2FFFF;
	_ =	strace $0x9FFFFFFF  }
0xc2: {  	(tm) =	ssettm $0x7FFFFFFF  }
0xc3: {  	_ =	shalt  }
tec
execute0_lowered:
.L_overlay_start_1:
0x0: {  	(tag) =	ssettag $0x1  }
0x1: {  	s0 =	stileid.u32  }
0x2: {  	s1 =	srdreg.scid;
	s4 =	rddreg [dreg:$0x0]  }
0x3: {  	s2 =	rddreg [dreg:$0x1];
	s3 =	simm.s32 $0x0;
	s12 =	simm.s32 $0x100  }
0x4: {  	s13 =	simm.s32 $0x1;
	s14 =	simm.s32 $0x80;
	s6 =	smul.u32 $0x280, s0  }
0x5: {  	s5 =	sand.u32 $0x1, s1;
	s1 =	rddreg [dreg:$0x2];
	s8 =	smul.u32 $0xA00, s0  }
0x6: {  	s17 =	simm.s32 $0x0;
	[smem:$0x7FF] =	sst s3;
	s7 =	smul.u32 $0x2800, s5  }
0x7: {  	s15 =	sshll.u32 s0, $0x6;
	_ =	strace $0x80000047;
	s11 =	smul.u32 $0x500, s5  }
0x8: {  	s9 =	ssub.s32 $0x2, s5;
	s15 =	sor.u32 $0x1C01, s15;
	s10 =	sadd.s32 s8, s4  }
0x9: {  	s30 =	sshrl.u32 s9, $0x1;
	s7 =	sadd.s32 s6, s7;
	s11 =	sadd.s32 s11, s10  }
0xa: {  	s31 =	ssub.s32 s9, s30;
	s7 =	sshrl.u32 s7, $0x3;
	s11 =	sadd.s32 $0x3600, s11  }
0xb: {  	s7 =	sadd.s32 s7, s4;
	s4 =	sadd.s32 s6, s2;
	s6 =	smax.u32 s31, $0x1  }
0xc: {  	s5 =	sadd.s32 $0xD800, s7;
	s7 =	sadd.s32 $0x80, s4;
	s8 =	sadd.s32 $0x100, s4  }
0xd: {  	v0 =	vimm.f32 $1.000000000e+00;
	v1 =	vimm.f32 $0.0e+00;
	s9 =	sadd.s32 $0x180, s4;
	s10 =	sadd.s32 $0x200, s4;
	s16 =	sshrl.u32 s4, $0x3  }
.LBB2_1:
0xe: {  	[tilespmem:$0x80] =	vst v0  }
0xf: {  	[tilespmem:$0x100] =	vst v1  }
0x10: {  	[tilespmem:$0x90] =	vst v0  }
0x11: {  	[tilespmem:$0x110] =	vst v1  }
0x12: {  	[tilespmem:$0xA0] =	vst v0  }
0x13: {  	[tilespmem:$0x120] =	vst v1  }
0x14: {  	[tilespmem:$0xB0] =	vst v0  }
0x15: {  	[tilespmem:$0x130] =	vst v1  }
0x16: {  	[tilespmem:$0xC0] =	vst v0  }
0x17: {  	[tilespmem:$0x140] =	vst v1  }
0x18: {  	[tilespmem:$0xD0] =	vst v0  }
0x19: {  	[tilespmem:$0x150] =	vst v1  }
0x1a: {  	[tilespmem:$0xE0] =	vst v0  }
0x1b: {  	[tilespmem:$0x160] =	vst v1  }
0x1c: {  	[tilespmem:$0xF0] =	vst v0  }
0x1d: {  	[tilespmem:$0x170] =	vst v1  }
0x1e: {  	[spmem:s4] =	stream.linear.scatter [tilespmem:s12], [sflag:$0x1], $0x80, $0x38;
	[tilespmem:$0x400] =	vst v63  }
0x1f: {  	_ =	swait.ge [sflag:s13], $0x80  }
0x20: {  	[sflag:s13] =	ssyncset.done $0x0  }
0x21: {  	[sflag:s13] =	ssyncadd.s32 $0xFFFFFF80  }
0x22: {  	[spmem:s7] =	stream.linear.scatter [tilespmem:s12], [sflag:$0x1], $0x80, $0x38;
	[tilespmem:$0x400] =	vst v63  }
0x23: {  	_ =	swait.ge [sflag:s13], $0x80  }
0x24: {  	[sflag:s13] =	ssyncset.done $0x0  }
0x25: {  	[sflag:s13] =	ssyncadd.s32 $0xFFFFFF80  }
0x26: {  	[spmem:s8] =	stream.linear.scatter [tilespmem:s12], [sflag:$0x1], $0x80, $0x38;
	[tilespmem:$0x400] =	vst v63  }
0x27: {  	_ =	swait.ge [sflag:s13], $0x80  }
0x28: {  	[sflag:s13] =	ssyncset.done $0x0  }
0x29: {  	[sflag:s13] =	ssyncadd.s32 $0xFFFFFF80  }
0x2a: {  	[spmem:s9] =	stream.linear.scatter [tilespmem:s12], [sflag:$0x1], $0x80, $0x38;
	[tilespmem:$0x400] =	vst v63  }
0x2b: {  	_ =	swait.ge [sflag:s13], $0x80  }
0x2c: {  	[sflag:s13] =	ssyncset.done $0x0  }
0x2d: {  	[sflag:s13] =	ssyncadd.s32 $0xFFFFFF80  }
0x2e: {  	[spmem:s10] =	stream.linear.scatter [tilespmem:s12], [sflag:$0x1], $0x80, $0x38;
	[tilespmem:$0x400] =	vst v63  }
0x2f: {  	_ =	swait.ge [sflag:s13], $0x80  }
0x30: {  	[sflag:s13] =	ssyncset.done $0x0  }
0x31: {  	[sflag:s13] =	ssyncadd.s32 $0xFFFFFF80  }
0x32: {  	s18 =	sadd.s32 $0x0, s11;
	[bflag:$0x0] =	sbarrier.arrive $0xFFFF  }
0x33: {  	[tilespmem:s3], [sflag:$0x1] =	stream.linear.gather [hbm4b:s18+s3], $0x80, $0x38;
	[tilespmem:$0x400] =	vst v63  }
0x34: {  	_ =	swait.ge [sflag:s13], $0x80  }
0x35: {  	[sflag:s13] =	ssyncset.done $0x0  }
0x36: {  	[sflag:s13] =	ssyncadd.s32 $0xFFFFFF80  }
0x37: {  	[spmem:s2] =	stream.indirect.scatter.add.f32 [tilespmem:s14], [sflag:$0x1], $0x1, s3, s14, $0xb8;
	[tilespmem:$0x400] =	vst v63  }
0x38: {  	_ =	swait.ge [sflag:s13], $0x80  }
0x39: {  	s19 =	simm.s32 $0x20;
	s18 =	simm.s32 $0x10;
	[sflag:s13] =	ssyncset.done $0x0  }
.LBB2_2:
0x3a: {  	s20 =	sadd.s32 s18, s11  }
0x3b: {  	[sflag:s13] =	ssyncadd.s32 $0xFFFFFF80;
	s18 =	smov.u32 s19;
	s21 =	sadd.s32 $0x10, s19  }
0x3c: {  	[tilespmem:s3], [sflag:$0x1] =	stream.linear.gather [hbm4b:s20+s3], $0x80, $0x38;
	[tilespmem:$0x400] =	vst v63  }
0x3d: {  	p0 =	sne.s32 s19, $0x4F0;
	_ =	swait.ge [sflag:s13], $0x80  }
.Ltmp0:
0x3e: {  	[sflag:s13] =	ssyncset.done $0x0;
	(pc) =	sbr.rel @p0 .LBB2_2-.Ltmp0, $4  }
0x3f: {  	[sflag:s13] =	ssyncadd.s32 $0xFFFFFF80  }
0x40: {  	[spmem:s2] =	stream.indirect.scatter.add.f32 [tilespmem:s14], [sflag:$0x1], $0x1, s3, s14, $0xb8;
	[tilespmem:$0x400] =	vst v63  }
0x41: {  	_ =	swait.ge [sflag:s13], $0x80  }
0x42: {  	s19 =	smov.u32 s21;
	[sflag:s13] =	ssyncset.done $0x0  }
0x43: {  	s18 =	sadd.s32 s18, s11;
	[sflag:s13] =	ssyncadd.s32 $0xFFFFFF80  }
0x44: {  	[tilespmem:s3], [sflag:$0x1] =	stream.linear.gather [hbm4b:s18+s3], $0x80, $0x38;
	[tilespmem:$0x400] =	vst v63  }
0x45: {  	_ =	swait.ge [sflag:s13], $0x80  }
0x46: {  	[sflag:s13] =	ssyncset.done $0x0  }
0x47: {  	[sflag:s13] =	ssyncadd.s32 $0xFFFFFF80  }
0x48: {  	[spmem:s2] =	stream.indirect.scatter.add.f32 [tilespmem:s14], [sflag:$0x1], $0x1, s3, s14, $0xb8;
	[tilespmem:$0x400] =	vst v63  }
0x49: {  	_ =	swait.ge [sflag:s13], $0x80  }
0x4a: {  	s17 =	sadd.s32 $0x1, s17;
	[sflag:s13] =	ssyncset.done $0x0  }
0x4b: {  	p0 =	sne.s32 s17, s6;
	[sflag:s13] =	ssyncadd.s32 $0xFFFFFF80  }
.Ltmp1:
0x4c: {  	[bflag:$0x0] =	sbarrier.arrive $0xFFFF;
	(pc) =	sbr.rel @p0 .LBB2_1-.Ltmp1, $4  }
0x4d: {  	[hbm:s5], [sflag:s15] =	dma.local [spmem:s16], $0x50  }
0x4e: {  	_ =	swait.ge [sflag:s13], $0x50  }
0x4f: {  	[sflag:s13] =	ssyncset.done $0x0  }
0x50: {  	[sflag:s13] =	ssyncadd.s32 $0xFFFFFFB0  }
0x51: {  	_ =	sfence.sel $0x180000  }
0x52: {  	[bflag:$0x0] =	sbarrier.arrive $0xFFFF  }
0x53: {  	p0 =	sne.s32 s0, $0x0;
	_ =	strace $0x90000047  }
0x54: {  	s0 =	sadd.s32 @!p0 $0x100000, s1;
	[bflag:$0x2] =	sbarrier.arrive $0xFFFF  }
0x55: {  	[sflag:s0] =	ssyncadd.tile.s32 @!p0 $0x1;
	_ =	shalt  }
.Lfunc_end2:
_tile_overlayer_lowered:
.L_overlay_start_2:
0x56: {  	(tag) =	ssettag $0x2  }
0x57: {  	s0 =	rddreg [dreg:$0x0];
	s2 =	stileid.u32  }
0x58: {  	s1 =	rddreg [dreg:$0x1];
	p0 =	sne.s32 s2, $0x0  }
0x59: {  	s3 =	rddreg [dreg:$0x2];
	[bflag:$0x3] =	sbarrier.arrive $0xFFFF;
	s2 =	simm.s32 @!p0 $0x1C01  }
0x5a: {  	[timem:s3], [sflag:s2] =	dma.local @!p0 [hbm:s0], s1  }
0x5b: {  	s0 =	simm.s32 @!p0 $0x1  }
0x5c: {  	_ =	swait.ge @!p0 [sflag:s0], s1  }
0x5d: {  	s1 =	ssub.s32 @!p0 $0x0, s1;
	[sflag:s0] =	ssyncset.done @!p0 $0x0  }
0x5e: {  	[sflag:s0] =	ssyncadd.s32 @!p0 s1  }
0x5f: {  	[bflag:$0x3] =	sbarrier.arrive $0xFFFF  }
0x60: {  	_ =	shalt  }

</sc_bundles>
